<compile_context>
chip_gen: v7x
topology: tpu7x:2x2x1
jax: 0.10.2.dev20260603
libtpu: 0.0.44.dev20260713+nightly
codegen_flags: <defaults>
</compile_context>

<pallas_src>
import functools

import jax
import jax.numpy as jnp
from jax import lax
from jax.experimental import pallas as pl
from jax.experimental.pallas import tpu as pltpu
from jax.experimental.pallas import tpu_sc as plsc

B = 16
TOTAL_UIH = 32768
NUM_CAND = 128
DIM = 128
TOTAL_OUT = TOTAL_UIH + B * NUM_CAND

NC, NS, L = 2, 16, 16
NW = NC * NS
PER_W = TOTAL_OUT // NW
CHUNKS = [(g * 128, 128) for g in range(8)] + [(1024, 64)]
NBUF = 4
UIH_SLICE = 3200


def _build_emb_gather():
    mesh = plsc.VectorSubcoreMesh(
        core_axis_name="c", subcore_axis_name="s",
        num_cores=NC, num_subcores=NS)

    @functools.partial(
        pl.kernel,
        out_type=(
            jax.ShapeDtypeStruct((TOTAL_OUT, DIM), jnp.float32),
            jax.ShapeDtypeStruct((B,), jnp.int32),
            jax.ShapeDtypeStruct((B,), jnp.int32),
            jax.ShapeDtypeStruct((B,), jnp.int32),
        ),
        mesh=mesh,
        compiler_params=pltpu.CompilerParams(needs_layout_passes=False),
        scratch_types=[
            pltpu.VMEM((UIH_SLICE,), jnp.int32),
            pltpu.VMEM((B * NUM_CAND,), jnp.int32),
            pltpu.VMEM((128,), jnp.int32),
            pltpu.VMEM((128,), jnp.int32),
            pltpu.VMEM((128,), jnp.int32),
            pltpu.VMEM((64,), jnp.int32),
            pltpu.VMEM((PER_W,), jnp.int32),
            [pltpu.VMEM((128, DIM), jnp.float32) for _ in range(NBUF)],
            [pltpu.SemaphoreType.DMA for _ in range(NBUF)],
            [pltpu.SemaphoreType.DMA for _ in range(NBUF)],
            pltpu.SemaphoreType.DMA,
            pltpu.SemaphoreType.DMA,
        ],
    )
    def emb_gather(table_hbm, uih_hbm, cand_hbm, inner_hbm,
                   out_hbm, slen_hbm, ulen_hbm, ncand_hbm,
                   uih_v, cand_v, inner_v, u_v, t_v, aux_v, idx_v,
                   bufs, gsems, wsems, ssem, csem):
        wid = lax.axis_index("s") * NC + lax.axis_index("c")
        base = wid * PER_W
        start_w = pl.multiple_of(
            jnp.clip(base - B * NUM_CAND, 0, TOTAL_UIH - UIH_SLICE), 8)

        stage_uih = pltpu.async_copy(
            uih_hbm.at[pl.ds(start_w, UIH_SLICE)], uih_v, ssem)
        stage_cand = pltpu.async_copy(cand_hbm, cand_v, csem)
        pltpu.sync_copy(inner_hbm, inner_v.at[pl.ds(0, B - 1)])

        iota = lax.iota(jnp.int32, L)
        inner16 = plsc.load_gather(inner_v, [jnp.clip(iota, 0, B - 2)])
        u_vec = jnp.where(iota >= B - 1, TOTAL_UIH, inner16)
        t_vec = u_vec + (iota + 1) * NUM_CAND
        u_v[pl.ds(0, L)] = u_vec
        t_v[pl.ds(B, L)] = t_vec
        thr = [plsc.load_gather(t_v, [jnp.full((L,), B + k, jnp.int32)])
               for k in range(B)]

        @pl.when(wid == 0)
        def _aux():
            aux_v[pl.ds(0, L)] = jnp.zeros((L,), jnp.int32)
            aux_v[pl.ds(1, L)] = u_vec
            prev = aux_v[pl.ds(0, L)]
            ulen = u_vec - prev
            aux_v[pl.ds(16, L)] = ulen
            pltpu.sync_copy(aux_v.at[pl.ds(16, L)], ulen_hbm)
            aux_v[pl.ds(32, L)] = ulen + NUM_CAND
            pltpu.sync_copy(aux_v.at[pl.ds(32, L)], slen_hbm)
            aux_v[pl.ds(48, L)] = jnp.full((L,), NUM_CAND, jnp.int32)
            pltpu.sync_copy(aux_v.at[pl.ds(48, L)], ncand_hbm)

        stage_cand.wait()
        stage_uih.wait()

        def compute_ids(v, carry):
            p = (base + v * L) + iota
            s = jnp.zeros((L,), jnp.int32)
            for k in range(B):
                s = s + (p >= thr[k]).astype(jnp.int32)
            unext = plsc.load_gather(u_v, [s])
            is_cand = p >= unext + s * NUM_CAND
            uidx = jnp.minimum(p - s * NUM_CAND - start_w, UIH_SLICE - 1)
            cidx = jnp.maximum(p - unext, 0)
            uid = plsc.load_gather(uih_v, [uidx])
            cid = plsc.load_gather(cand_v, [cidx])
            idx_v[pl.ds(v * L, L)] = jnp.where(is_cand, cid, uid)
            return carry

        first_sz = CHUNKS[0][1]
        lax.fori_loop(0, first_sz // L, compute_ids, 0)
        gcp = [None] * len(CHUNKS)
        wcp = [None] * len(CHUNKS)
        gcp[0] = pltpu.async_copy(
            table_hbm.at[idx_v.at[pl.ds(0, first_sz)]],
            bufs[0].at[pl.ds(0, first_sz)], gsems[0])
        lax.fori_loop(first_sz // L, PER_W // L, compute_ids, 0)

        for g, (off, sz) in enumerate(CHUNKS):
            if g == 0:
                continue
            bi = g % NBUF
            if g >= NBUF:
                wcp[g - NBUF].wait()
            gcp[g] = pltpu.async_copy(
                table_hbm.at[idx_v.at[pl.ds(off, sz)]],
                bufs[bi].at[pl.ds(0, sz)], gsems[bi])
            if g >= 1:
                poff, psz = CHUNKS[g - 1]
                gcp[g - 1].wait()
                wcp[g - 1] = pltpu.async_copy(
                    bufs[(g - 1) % NBUF].at[pl.ds(0, psz)],
                    out_hbm.at[pl.ds(base + poff, psz)],
                    wsems[(g - 1) % NBUF])
        last = len(CHUNKS) - 1
        loff, lsz = CHUNKS[last]
        gcp[last].wait()
        wcp[last] = pltpu.async_copy(
            bufs[last % NBUF].at[pl.ds(0, lsz)],
            out_hbm.at[pl.ds(base + loff, lsz)], wsems[last % NBUF])
        for g in range(max(0, len(CHUNKS) - NBUF), len(CHUNKS)):
            wcp[g].wait()

    return emb_gather


_emb_gather = _build_emb_gather()


def kernel(uih_values, uih_inner_offsets, cand_values, uih_timestamps, table):
    b = uih_inner_offsets.shape[0] + 1
    total_uih = uih_values.shape[0]
    nc = cand_values.shape[0] // b

    seq_emb_values, seq_emb_lengths, uih_seq_lengths, num_candidates = (
        _emb_gather(table, uih_values, cand_values,
                    uih_inner_offsets.astype(jnp.int32)))

    return (seq_emb_values, seq_emb_lengths, uih_timestamps,
            uih_seq_lengths, num_candidates)

# --- scband reference (transcript-rebuilt; emitter-appended) ---
"""Pipeline reference for scband-hstusparse-script-module-18468359373269 (READ-ONLY COPY).

The authoritative reference and input builder live on the scoring server;
editing this copy changes nothing except your own understanding.
"""

import jax, jax.numpy as jnp
import numpy as np

B = 16
TOTAL_UIH = 32768
NUM_CAND = 128
VOCAB = 1000000
DIM = 128


def setup_inputs(seed: int = 0) -> dict:
    key = jax.random.key(seed)
    k1, k2, k3, k4, k5 = jax.random.split(key, 5)
    uih_values = jax.random.randint(k1, (TOTAL_UIH,), 0, VOCAB, dtype=jnp.int32)
    uih_inner_offsets = jnp.sort(jax.random.randint(k2, (B - 1,), 0, TOTAL_UIH, dtype=jnp.int32))
    cand_values = jax.random.randint(k3, (B * NUM_CAND,), 0, VOCAB, dtype=jnp.int32)
    uih_timestamps = jax.random.randint(k4, (TOTAL_UIH,), 0, 10000000, dtype=jnp.int32)
    # learned parameter: embedding table (item_id feature)
    table = jax.random.normal(k5, (VOCAB, DIM), dtype=jnp.float32) * 0.02
    return {
        "uih_values": uih_values,
        "uih_inner_offsets": uih_inner_offsets,
        "cand_values": cand_values,
        "uih_timestamps": uih_timestamps,
        "table": table,
    }


def reference(uih_values, uih_inner_offsets, cand_values, uih_timestamps, table):
    # Reconstruct jagged UIH offsets/lengths (KeyedJaggedTensor semantics)
    b = uih_inner_offsets.shape[0] + 1
    total_uih = uih_values.shape[0]
    nc = cand_values.shape[0] // b
    uih_offsets = jnp.concatenate([
        jnp.zeros((1,), dtype=jnp.int32),
        uih_inner_offsets.astype(jnp.int32),
        jnp.array([total_uih], dtype=jnp.int32),
    ])
    uih_seq_lengths = uih_offsets[1:] - uih_offsets[:-1]
    num_candidates = jnp.full((b,), nc, dtype=jnp.int32)

    # Per-user concat of UIH history ids + candidate ids (jagged concat),
    # as done inside HSTUSparseInferenceModule before embedding lookup.
    out_lengths = uih_seq_lengths + nc
    out_offsets = jnp.concatenate([
        jnp.zeros((1,), dtype=jnp.int32),
        jnp.cumsum(out_lengths).astype(jnp.int32),
    ])
    total_out = total_uih + nc * b
    pos = jnp.arange(total_out, dtype=jnp.int32)
    seg = jnp.searchsorted(out_offsets, pos, side="right").astype(jnp.int32) - 1
    local = pos - out_offsets[seg]
    is_cand = local >= uih_seq_lengths[seg]
    src = jnp.concatenate([uih_values, cand_values])
    src_idx = jnp.where(
        is_cand,
        total_uih + seg * nc + (local - uih_seq_lengths[seg]),
        uih_offsets[seg] + local,
    )
    combined_ids = src[src_idx]

    # Embedding lookup (the sparse / memory-bound core op)
    seq_emb_values = jnp.take(table, combined_ids, axis=0)
    seq_emb_lengths = out_lengths
    payload_features = uih_timestamps  # passed-through side feature

    return (seq_emb_values, seq_emb_lengths, payload_features, uih_seq_lengths, num_candidates)

if __name__ == "__main__":
    import jax
    _d = setup_inputs()
    print(jax.jit(kernel)(*tuple(_d.values())))

</pallas_src>

<mosaic_0001>
#map = affine_map<(d0, d1) -> (0, 0)>
#map1 = affine_map<(d0, d1) -> (0)>
module attributes {stable_mosaic.version = 14 : i64} {
  func.func @emb_gather(%arg0: i32, %arg1: i32, %arg2: memref<1000000x128xf32, #tpu.memory_space<hbm>>, %arg3: memref<32768xi32, #tpu.memory_space<hbm>>, %arg4: memref<2048xi32, #tpu.memory_space<hbm>>, %arg5: memref<15xi32, #tpu.memory_space<hbm>>, %arg6: memref<34816x128xf32, #tpu.memory_space<hbm>>, %arg7: memref<16xi32, #tpu.memory_space<hbm>>, %arg8: memref<16xi32, #tpu.memory_space<hbm>>, %arg9: memref<16xi32, #tpu.memory_space<hbm>>, %arg10: memref<3200xi32, #tpu.memory_space<vmem>>, %arg11: memref<2048xi32, #tpu.memory_space<vmem>>, %arg12: memref<128xi32, #tpu.memory_space<vmem>>, %arg13: memref<128xi32, #tpu.memory_space<vmem>>, %arg14: memref<128xi32, #tpu.memory_space<vmem>>, %arg15: memref<64xi32, #tpu.memory_space<vmem>>, %arg16: memref<1088xi32, #tpu.memory_space<vmem>>, %arg17: memref<128x128xf32, #tpu.memory_space<vmem>>, %arg18: memref<128x128xf32, #tpu.memory_space<vmem>>, %arg19: memref<128x128xf32, #tpu.memory_space<vmem>>, %arg20: memref<128x128xf32, #tpu.memory_space<vmem>>, %arg21: memref<!tpu.dma_semaphore, #tpu.memory_space<semaphore_mem>>, %arg22: memref<!tpu.dma_semaphore, #tpu.memory_space<semaphore_mem>>, %arg23: memref<!tpu.dma_semaphore, #tpu.memory_space<semaphore_mem>>, %arg24: memref<!tpu.dma_semaphore, #tpu.memory_space<semaphore_mem>>, %arg25: memref<!tpu.dma_semaphore, #tpu.memory_space<semaphore_mem>>, %arg26: memref<!tpu.dma_semaphore, #tpu.memory_space<semaphore_mem>>, %arg27: memref<!tpu.dma_semaphore, #tpu.memory_space<semaphore_mem>>, %arg28: memref<!tpu.dma_semaphore, #tpu.memory_space<semaphore_mem>>, %arg29: memref<!tpu.dma_semaphore, #tpu.memory_space<semaphore_mem>>, %arg30: memref<!tpu.dma_semaphore, #tpu.memory_space<semaphore_mem>>) attributes {dimension_semantics = [#tpu.dimension_semantics<core_parallel>, #tpu.dimension_semantics<subcore_parallel>], iteration_bounds = array<i64: 2, 16>, scalar_prefetch = 0 : i64, scratch_operands = 21 : i64, tpu.core_type = #tpu.core_type<sc_vector_subcore>, window_params = [{transform_indices = #map}, {transform_indices = #map1}, {transform_indices = #map1}, {transform_indices = #map1}, {transform_indices = #map}, {transform_indices = #map1}, {transform_indices = #map1}, {transform_indices = #map1}]} {
    %mul3A = arith.constant 2 : i32
    %mul3A_0 = arith.muli %arg1, %mul3A : i32
    %add3A = arith.addi %mul3A_0, %arg0 : i32
    %mul3A_1 = arith.constant 1088 : i32
    %mul3A_2 = arith.muli %add3A, %mul3A_1 : i32
    %sub3A = arith.constant 2048 : i32
    %sub3A_3 = arith.subi %mul3A_2, %sub3A : i32
    %jit3A = arith.constant 0 : i32
    %jit3A_4 = arith.constant 29568 : i32
    %max3A = arith.maxsi %jit3A, %sub3A_3 : i32
    %min3A = arith.minsi %jit3A_4, %max3A : i32
    %multiple_of3A = tpu.assume_multiple %min3A, 8 : i32
    %dma_start3A = tpu.memref_slice %arg3[%multiple_of3A] : memref<32768xi32, #tpu.memory_space<hbm>> -> memref<3200xi32, #tpu.memory_space<hbm>>
    %dma_start3A_5 = tpu.memref_slice %arg3[%multiple_of3A] : memref<32768xi32, #tpu.memory_space<hbm>> -> memref<3200xi32, #tpu.memory_space<hbm>>
    tpu.enqueue_dma source(%dma_start3A_5 : memref<3200xi32, #tpu.memory_space<hbm>>) target(%arg10 : memref<3200xi32, #tpu.memory_space<vmem>>) target_semaphore(%arg29 : memref<!tpu.dma_semaphore, #tpu.memory_space<semaphore_mem>>)
    tpu.enqueue_dma source(%arg4 : memref<2048xi32, #tpu.memory_space<hbm>>) target(%arg11 : memref<2048xi32, #tpu.memory_space<vmem>>) target_semaphore(%arg30 : memref<!tpu.dma_semaphore, #tpu.memory_space<semaphore_mem>>)
    "tpu.region"() ({
      %run_scoped3A = tpu.sem_alloc : memref<!tpu.dma_semaphore, #tpu.memory_space<semaphore_mem>>
      %dma_start3A_429 = arith.constant 0 : i32
      %dma_start3A_430 = tpu.memref_slice %arg12[%dma_start3A_429] : memref<128xi32, #tpu.memory_space<vmem>> -> memref<15xi32, #tpu.memory_space<vmem>>
      %dma_start3A_431 = arith.constant 0 : i32
      %dma_start3A_432 = tpu.memref_slice %arg12[%dma_start3A_431] : memref<128xi32, #tpu.memory_space<vmem>> -> memref<15xi32, #tpu.memory_space<vmem>>
      tpu.enqueue_dma source(%arg5 : memref<15xi32, #tpu.memory_space<hbm>>) target(%dma_start3A_432 : memref<15xi32, #tpu.memory_space<vmem>>) target_semaphore(%run_scoped3A : memref<!tpu.dma_semaphore, #tpu.memory_space<semaphore_mem>>)
      %dma_wait3A_433 = arith.constant 0 : i32
      %dma_wait3A_434 = tpu.memref_slice %arg12[%dma_wait3A_433] : memref<128xi32, #tpu.memory_space<vmem>> -> memref<15xi32, #tpu.memory_space<vmem>>
      %dma_wait3A_435 = arith.constant 0 : i32
      %dma_wait3A_436 = tpu.memref_slice %arg12[%dma_wait3A_435] : memref<128xi32, #tpu.memory_space<vmem>> -> memref<15xi32, #tpu.memory_space<vmem>>
      tpu.wait_dma2 semaphore(%run_scoped3A : memref<!tpu.dma_semaphore, #tpu.memory_space<semaphore_mem>>) src(%arg5 : memref<15xi32, #tpu.memory_space<hbm>>) dst(%dma_wait3A_436 : memref<15xi32, #tpu.memory_space<vmem>>)
      tpu.yield
    }) : () -> ()
    %iota3A = tpu.iota {dimensions = array<i32: 0>} : vector<16xi32>
    %jit3A_6 = arith.constant 0 : i32
    %jit3A_7 = arith.constant 14 : i32
    %max3A_8 = vector.broadcast %jit3A_6 : i32 to vector<16xi32>
    %max3A_9 = arith.maxsi %max3A_8, %iota3A : vector<16xi32>
    %min3A_10 = vector.broadcast %jit3A_7 : i32 to vector<16xi32>
    %min3A_11 = arith.minsi %min3A_10, %max3A_9 : vector<16xi32>
    %gather3A = tpu.vector_load_idx %arg12[%min3A_11] : memref<128xi32, #tpu.memory_space<vmem>>[vector<16xi32>], vector<16xi32>,
    %ge3A = arith.constant 15 : i32
    %ge3A_12 = vector.broadcast %ge3A : i32 to vector<16xi32>
    %ge3A_13 = arith.cmpi sge, %iota3A, %ge3A_12 : vector<16xi32>
    %jit3A_14 = arith.constant 32768 : i32
    %broadcast_in_dim3A = vector.broadcast %jit3A_14 : i32 to vector<16xi32>
    %select_n3A = arith.select %ge3A_13, %broadcast_in_dim3A, %gather3A : vector<16xi1>, vector<16xi32>
    %add3A_15 = arith.constant 1 : i32
    %add3A_16 = vector.broadcast %add3A_15 : i32 to vector<16xi32>
    %add3A_17 = arith.addi %iota3A, %add3A_16 : vector<16xi32>
    %mul3A_18 = arith.constant 128 : i32
    %mul3A_19 = vector.broadcast %mul3A_18 : i32 to vector<16xi32>
    %mul3A_20 = arith.muli %add3A_17, %mul3A_19 : vector<16xi32>
    %add3A_21 = arith.addi %select_n3A, %mul3A_20 : vector<16xi32>
    %swap3A = arith.constant 0 : index
    %swap3A_22 = tpu.vector_load %arg13[%swap3A] {strides = array<i32>} : memref<128xi32, #tpu.memory_space<vmem>>, vector<16xi32>,
    tpu.vector_store %arg13[%swap3A], %select_n3A {strides = array<i32>} : memref<128xi32, #tpu.memory_space<vmem>>, vector<16xi32>,
    %swap3A_23 = arith.constant 16 : index
    %swap3A_24 = tpu.vector_load %arg14[%swap3A_23] {strides = array<i32>} : memref<128xi32, #tpu.memory_space<vmem>>, vector<16xi32>,
    tpu.vector_store %arg14[%swap3A_23], %add3A_21 {strides = array<i32>} : memref<128xi32, #tpu.memory_space<vmem>>, vector<16xi32>,
    %broadcast_in_dim3A_25 = arith.constant 16 : i32
    %broadcast_in_dim3A_26 = vector.broadcast %broadcast_in_dim3A_25 : i32 to vector<16xi32>
    %gather3A_27 = tpu.vector_load_idx %arg14[%broadcast_in_dim3A_26] : memref<128xi32, #tpu.memory_space<vmem>>[vector<16xi32>], vector<16xi32>,
    %broadcast_in_dim3A_28 = arith.constant 17 : i32
    %broadcast_in_dim3A_29 = vector.broadcast %broadcast_in_dim3A_28 : i32 to vector<16xi32>
    %gather3A_30 = tpu.vector_load_idx %arg14[%broadcast_in_dim3A_29] : memref<128xi32, #tpu.memory_space<vmem>>[vector<16xi32>], vector<16xi32>,
    %broadcast_in_dim3A_31 = arith.constant 18 : i32
    %broadcast_in_dim3A_32 = vector.broadcast %broadcast_in_dim3A_31 : i32 to vector<16xi32>
    %gather3A_33 = tpu.vector_load_idx %arg14[%broadcast_in_dim3A_32] : memref<128xi32, #tpu.memory_space<vmem>>[vector<16xi32>], vector<16xi32>,
    %broadcast_in_dim3A_34 = arith.constant 19 : i32
    %broadcast_in_dim3A_35 = vector.broadcast %broadcast_in_dim3A_34 : i32 to vector<16xi32>
    %gather3A_36 = tpu.vector_load_idx %arg14[%broadcast_in_dim3A_35] : memref<128xi32, #tpu.memory_space<vmem>>[vector<16xi32>], vector<16xi32>,
    %broadcast_in_dim3A_37 = arith.constant 20 : i32
    %broadcast_in_dim3A_38 = vector.broadcast %broadcast_in_dim3A_37 : i32 to vector<16xi32>
    %gather3A_39 = tpu.vector_load_idx %arg14[%broadcast_in_dim3A_38] : memref<128xi32, #tpu.memory_space<vmem>>[vector<16xi32>], vector<16xi32>,
    %broadcast_in_dim3A_40 = arith.constant 21 : i32
    %broadcast_in_dim3A_41 = vector.broadcast %broadcast_in_dim3A_40 : i32 to vector<16xi32>
    %gather3A_42 = tpu.vector_load_idx %arg14[%broadcast_in_dim3A_41] : memref<128xi32, #tpu.memory_space<vmem>>[vector<16xi32>], vector<16xi32>,
    %broadcast_in_dim3A_43 = arith.constant 22 : i32
    %broadcast_in_dim3A_44 = vector.broadcast %broadcast_in_dim3A_43 : i32 to vector<16xi32>
    %gather3A_45 = tpu.vector_load_idx %arg14[%broadcast_in_dim3A_44] : memref<128xi32, #tpu.memory_space<vmem>>[vector<16xi32>], vector<16xi32>,
    %broadcast_in_dim3A_46 = arith.constant 23 : i32
    %broadcast_in_dim3A_47 = vector.broadcast %broadcast_in_dim3A_46 : i32 to vector<16xi32>
    %gather3A_48 = tpu.vector_load_idx %arg14[%broadcast_in_dim3A_47] : memref<128xi32, #tpu.memory_space<vmem>>[vector<16xi32>], vector<16xi32>,
    %broadcast_in_dim3A_49 = arith.constant 24 : i32
    %broadcast_in_dim3A_50 = vector.broadcast %broadcast_in_dim3A_49 : i32 to vector<16xi32>
    %gather3A_51 = tpu.vector_load_idx %arg14[%broadcast_in_dim3A_50] : memref<128xi32, #tpu.memory_space<vmem>>[vector<16xi32>], vector<16xi32>,
    %broadcast_in_dim3A_52 = arith.constant 25 : i32
    %broadcast_in_dim3A_53 = vector.broadcast %broadcast_in_dim3A_52 : i32 to vector<16xi32>
    %gather3A_54 = tpu.vector_load_idx %arg14[%broadcast_in_dim3A_53] : memref<128xi32, #tpu.memory_space<vmem>>[vector<16xi32>], vector<16xi32>,
    %broadcast_in_dim3A_55 = arith.constant 26 : i32
    %broadcast_in_dim3A_56 = vector.broadcast %broadcast_in_dim3A_55 : i32 to vector<16xi32>
    %gather3A_57 = tpu.vector_load_idx %arg14[%broadcast_in_dim3A_56] : memref<128xi32, #tpu.memory_space<vmem>>[vector<16xi32>], vector<16xi32>,
    %broadcast_in_dim3A_58 = arith.constant 27 : i32
    %broadcast_in_dim3A_59 = vector.broadcast %broadcast_in_dim3A_58 : i32 to vector<16xi32>
    %gather3A_60 = tpu.vector_load_idx %arg14[%broadcast_in_dim3A_59] : memref<128xi32, #tpu.memory_space<vmem>>[vector<16xi32>], vector<16xi32>,
    %broadcast_in_dim3A_61 = arith.constant 28 : i32
    %broadcast_in_dim3A_62 = vector.broadcast %broadcast_in_dim3A_61 : i32 to vector<16xi32>
    %gather3A_63 = tpu.vector_load_idx %arg14[%broadcast_in_dim3A_62] : memref<128xi32, #tpu.memory_space<vmem>>[vector<16xi32>], vector<16xi32>,
    %broadcast_in_dim3A_64 = arith.constant 29 : i32
    %broadcast_in_dim3A_65 = vector.broadcast %broadcast_in_dim3A_64 : i32 to vector<16xi32>
    %gather3A_66 = tpu.vector_load_idx %arg14[%broadcast_in_dim3A_65] : memref<128xi32, #tpu.memory_space<vmem>>[vector<16xi32>], vector<16xi32>,
    %broadcast_in_dim3A_67 = arith.constant 30 : i32
    %broadcast_in_dim3A_68 = vector.broadcast %broadcast_in_dim3A_67 : i32 to vector<16xi32>
    %gather3A_69 = tpu.vector_load_idx %arg14[%broadcast_in_dim3A_68] : memref<128xi32, #tpu.memory_space<vmem>>[vector<16xi32>], vector<16xi32>,
    %broadcast_in_dim3A_70 = arith.constant 31 : i32
    %broadcast_in_dim3A_71 = vector.broadcast %broadcast_in_dim3A_70 : i32 to vector<16xi32>
    %gather3A_72 = tpu.vector_load_idx %arg14[%broadcast_in_dim3A_71] : memref<128xi32, #tpu.memory_space<vmem>>[vector<16xi32>], vector<16xi32>,
    %eq3A = arith.constant 0 : i32
    %eq3A_73 = arith.cmpi eq, %add3A, %eq3A : i32
    %convert_element_type3A = arith.extui %eq3A_73 : i1 to i32
    %cond3A = arith.constant 0 : i32
    %cond3A_74 = arith.cmpi ne, %convert_element_type3A, %cond3A : i32
    scf.if %cond3A_74 {
      %broadcast_in_dim3A_429 = arith.constant 0 : i32
      %broadcast_in_dim3A_430 = vector.broadcast %broadcast_in_dim3A_429 : i32 to vector<16xi32>
      %swap3A_431 = arith.constant 0 : index
      %swap3A_432 = tpu.vector_load %arg15[%swap3A_431] {strides = array<i32>} : memref<64xi32, #tpu.memory_space<vmem>>, vector<16xi32>,
      tpu.vector_store %arg15[%swap3A_431], %broadcast_in_dim3A_430 {strides = array<i32>} : memref<64xi32, #tpu.memory_space<vmem>>, vector<16xi32>,
      %swap3A_433 = arith.constant 1 : index
      %swap3A_434 = tpu.vector_load %arg15[%swap3A_433] {strides = array<i32>} : memref<64xi32, #tpu.memory_space<vmem>>, vector<16xi32>,
      tpu.vector_store %arg15[%swap3A_433], %select_n3A {strides = array<i32>} : memref<64xi32, #tpu.memory_space<vmem>>, vector<16xi32>,
      %get3A = arith.constant 0 : index
      %get3A_435 = tpu.vector_load %arg15[%get3A] {strides = array<i32>} : memref<64xi32, #tpu.memory_space<vmem>>, vector<16xi32>,
      %sub3A_436 = arith.subi %select_n3A, %get3A_435 : vector<16xi32>
      %swap3A_437 = arith.constant 16 : index
      %swap3A_438 = tpu.vector_load %arg15[%swap3A_437] {strides = array<i32>} : memref<64xi32, #tpu.memory_space<vmem>>, vector<16xi32>,
      tpu.vector_store %arg15[%swap3A_437], %sub3A_436 {strides = array<i32>} : memref<64xi32, #tpu.memory_space<vmem>>, vector<16xi32>,
      "tpu.region"() ({
        %run_scoped3A = tpu.sem_alloc : memref<!tpu.dma_semaphore, #tpu.memory_space<semaphore_mem>>
        %dma_start3A_448 = arith.constant 16 : i32
        %dma_start3A_449 = tpu.memref_slice %arg15[%dma_start3A_448] : memref<64xi32, #tpu.memory_space<vmem>> -> memref<16xi32, #tpu.memory_space<vmem>>
        %dma_start3A_450 = arith.constant 16 : i32
        %dma_start3A_451 = tpu.memref_slice %arg15[%dma_start3A_450] : memref<64xi32, #tpu.memory_space<vmem>> -> memref<16xi32, #tpu.memory_space<vmem>>
        tpu.enqueue_dma source(%dma_start3A_451 : memref<16xi32, #tpu.memory_space<vmem>>) target(%arg8 : memref<16xi32, #tpu.memory_space<hbm>>) target_semaphore(%run_scoped3A : memref<!tpu.dma_semaphore, #tpu.memory_space<semaphore_mem>>)
        %dma_wait3A_452 = arith.constant 16 : i32
        %dma_wait3A_453 = tpu.memref_slice %arg15[%dma_wait3A_452] : memref<64xi32, #tpu.memory_space<vmem>> -> memref<16xi32, #tpu.memory_space<vmem>>
        %dma_wait3A_454 = arith.constant 16 : i32
        %dma_wait3A_455 = tpu.memref_slice %arg15[%dma_wait3A_454] : memref<64xi32, #tpu.memory_space<vmem>> -> memref<16xi32, #tpu.memory_space<vmem>>
        tpu.wait_dma2 semaphore(%run_scoped3A : memref<!tpu.dma_semaphore, #tpu.memory_space<semaphore_mem>>) src(%dma_wait3A_455 : memref<16xi32, #tpu.memory_space<vmem>>) dst(%arg8 : memref<16xi32, #tpu.memory_space<hbm>>)
        tpu.yield
      }) : () -> ()
      %add3A_439 = arith.constant 128 : i32
      %add3A_440 = vector.broadcast %add3A_439 : i32 to vector<16xi32>
      %add3A_441 = arith.addi %sub3A_436, %add3A_440 : vector<16xi32>
      %swap3A_442 = arith.constant 32 : index
      %swap3A_443 = tpu.vector_load %arg15[%swap3A_442] {strides = array<i32>} : memref<64xi32, #tpu.memory_space<vmem>>, vector<16xi32>,
      tpu.vector_store %arg15[%swap3A_442], %add3A_441 {strides = array<i32>} : memref<64xi32, #tpu.memory_space<vmem>>, vector<16xi32>,
      "tpu.region"() ({
        %run_scoped3A = tpu.sem_alloc : memref<!tpu.dma_semaphore, #tpu.memory_space<semaphore_mem>>
        %dma_start3A_448 = arith.constant 32 : i32
        %dma_start3A_449 = tpu.memref_slice %arg15[%dma_start3A_448] : memref<64xi32, #tpu.memory_space<vmem>> -> memref<16xi32, #tpu.memory_space<vmem>>
        %dma_start3A_450 = arith.constant 32 : i32
        %dma_start3A_451 = tpu.memref_slice %arg15[%dma_start3A_450] : memref<64xi32, #tpu.memory_space<vmem>> -> memref<16xi32, #tpu.memory_space<vmem>>
        tpu.enqueue_dma source(%dma_start3A_451 : memref<16xi32, #tpu.memory_space<vmem>>) target(%arg7 : memref<16xi32, #tpu.memory_space<hbm>>) target_semaphore(%run_scoped3A : memref<!tpu.dma_semaphore, #tpu.memory_space<semaphore_mem>>)
        %dma_wait3A_452 = arith.constant 32 : i32
        %dma_wait3A_453 = tpu.memref_slice %arg15[%dma_wait3A_452] : memref<64xi32, #tpu.memory_space<vmem>> -> memref<16xi32, #tpu.memory_space<vmem>>
        %dma_wait3A_454 = arith.constant 32 : i32
        %dma_wait3A_455 = tpu.memref_slice %arg15[%dma_wait3A_454] : memref<64xi32, #tpu.memory_space<vmem>> -> memref<16xi32, #tpu.memory_space<vmem>>
        tpu.wait_dma2 semaphore(%run_scoped3A : memref<!tpu.dma_semaphore, #tpu.memory_space<semaphore_mem>>) src(%dma_wait3A_455 : memref<16xi32, #tpu.memory_space<vmem>>) dst(%arg7 : memref<16xi32, #tpu.memory_space<hbm>>)
        tpu.yield
      }) : () -> ()
      %broadcast_in_dim3A_444 = arith.constant 128 : i32
      %broadcast_in_dim3A_445 = vector.broadcast %broadcast_in_dim3A_444 : i32 to vector<16xi32>
      %swap3A_446 = arith.constant 48 : index
      %swap3A_447 = tpu.vector_load %arg15[%swap3A_446] {strides = array<i32>} : memref<64xi32, #tpu.memory_space<vmem>>, vector<16xi32>,
      tpu.vector_store %arg15[%swap3A_446], %broadcast_in_dim3A_445 {strides = array<i32>} : memref<64xi32, #tpu.memory_space<vmem>>, vector<16xi32>,
      "tpu.region"() ({
        %run_scoped3A = tpu.sem_alloc : memref<!tpu.dma_semaphore, #tpu.memory_space<semaphore_mem>>
        %dma_start3A_448 = arith.constant 48 : i32
        %dma_start3A_449 = tpu.memref_slice %arg15[%dma_start3A_448] : memref<64xi32, #tpu.memory_space<vmem>> -> memref<16xi32, #tpu.memory_space<vmem>>
        %dma_start3A_450 = arith.constant 48 : i32
        %dma_start3A_451 = tpu.memref_slice %arg15[%dma_start3A_450] : memref<64xi32, #tpu.memory_space<vmem>> -> memref<16xi32, #tpu.memory_space<vmem>>
        tpu.enqueue_dma source(%dma_start3A_451 : memref<16xi32, #tpu.memory_space<vmem>>) target(%arg9 : memref<16xi32, #tpu.memory_space<hbm>>) target_semaphore(%run_scoped3A : memref<!tpu.dma_semaphore, #tpu.memory_space<semaphore_mem>>)
        %dma_wait3A_452 = arith.constant 48 : i32
        %dma_wait3A_453 = tpu.memref_slice %arg15[%dma_wait3A_452] : memref<64xi32, #tpu.memory_space<vmem>> -> memref<16xi32, #tpu.memory_space<vmem>>
        %dma_wait3A_454 = arith.constant 48 : i32
        %dma_wait3A_455 = tpu.memref_slice %arg15[%dma_wait3A_454] : memref<64xi32, #tpu.memory_space<vmem>> -> memref<16xi32, #tpu.memory_space<vmem>>
        tpu.wait_dma2 semaphore(%run_scoped3A : memref<!tpu.dma_semaphore, #tpu.memory_space<semaphore_mem>>) src(%dma_wait3A_455 : memref<16xi32, #tpu.memory_space<vmem>>) dst(%arg9 : memref<16xi32, #tpu.memory_space<hbm>>)
        tpu.yield
      }) : () -> ()
    } else {
    }
    tpu.wait_dma2 semaphore(%arg30 : memref<!tpu.dma_semaphore, #tpu.memory_space<semaphore_mem>>) src(%arg4 : memref<2048xi32, #tpu.memory_space<hbm>>) dst(%arg11 : memref<2048xi32, #tpu.memory_space<vmem>>)
    %dma_wait3A = tpu.memref_slice %arg3[%multiple_of3A] : memref<32768xi32, #tpu.memory_space<hbm>> -> memref<3200xi32, #tpu.memory_space<hbm>>
    %dma_wait3A_75 = tpu.memref_slice %arg3[%multiple_of3A] : memref<32768xi32, #tpu.memory_space<hbm>> -> memref<3200xi32, #tpu.memory_space<hbm>>
    tpu.wait_dma2 semaphore(%arg29 : memref<!tpu.dma_semaphore, #tpu.memory_space<semaphore_mem>>) src(%dma_wait3A_75 : memref<3200xi32, #tpu.memory_space<hbm>>) dst(%arg10 : memref<3200xi32, #tpu.memory_space<vmem>>)
    %scan3A = arith.constant 0 : i32
    %scan3A_76 = arith.constant 0 : i32
    %scan3A_77 = arith.constant 8 : i32
    %scan3A_78 = arith.addi %scan3A_76, %scan3A_77 : i32
    %scan3A_79 = arith.constant 1 : i32
    scf.for %scan3A_429 = %scan3A_76 to %scan3A_78 step %scan3A_79  : i32 {
      %mul3A_430 = arith.constant 16 : i32
      %mul3A_431 = arith.muli %scan3A_429, %mul3A_430 : i32
      %add3A_432 = arith.addi %mul3A_2, %mul3A_431 : i32
      %add3A_433 = vector.broadcast %add3A_432 : i32 to vector<16xi32>
      %add3A_434 = arith.addi %add3A_433, %iota3A : vector<16xi32>
      %broadcast_in_dim3A_435 = arith.constant 0 : i32
      %broadcast_in_dim3A_436 = vector.broadcast %broadcast_in_dim3A_435 : i32 to vector<16xi32>
      %ge3A_437 = arith.cmpi sge, %add3A_434, %gather3A_27 : vector<16xi32>
      %convert_element_type3A_438 = arith.extui %ge3A_437 : vector<16xi1> to vector<16xi32>
      %add3A_439 = arith.addi %broadcast_in_dim3A_436, %convert_element_type3A_438 : vector<16xi32>
      %ge3A_440 = arith.cmpi sge, %add3A_434, %gather3A_30 : vector<16xi32>
      %convert_element_type3A_441 = arith.extui %ge3A_440 : vector<16xi1> to vector<16xi32>
      %add3A_442 = arith.addi %add3A_439, %convert_element_type3A_441 : vector<16xi32>
      %ge3A_443 = arith.cmpi sge, %add3A_434, %gather3A_33 : vector<16xi32>
      %convert_element_type3A_444 = arith.extui %ge3A_443 : vector<16xi1> to vector<16xi32>
      %add3A_445 = arith.addi %add3A_442, %convert_element_type3A_444 : vector<16xi32>
      %ge3A_446 = arith.cmpi sge, %add3A_434, %gather3A_36 : vector<16xi32>
      %convert_element_type3A_447 = arith.extui %ge3A_446 : vector<16xi1> to vector<16xi32>
      %add3A_448 = arith.addi %add3A_445, %convert_element_type3A_447 : vector<16xi32>
      %ge3A_449 = arith.cmpi sge, %add3A_434, %gather3A_39 : vector<16xi32>
      %convert_element_type3A_450 = arith.extui %ge3A_449 : vector<16xi1> to vector<16xi32>
      %add3A_451 = arith.addi %add3A_448, %convert_element_type3A_450 : vector<16xi32>
      %ge3A_452 = arith.cmpi sge, %add3A_434, %gather3A_42 : vector<16xi32>
      %convert_element_type3A_453 = arith.extui %ge3A_452 : vector<16xi1> to vector<16xi32>
      %add3A_454 = arith.addi %add3A_451, %convert_element_type3A_453 : vector<16xi32>
      %ge3A_455 = arith.cmpi sge, %add3A_434, %gather3A_45 : vector<16xi32>
      %convert_element_type3A_456 = arith.extui %ge3A_455 : vector<16xi1> to vector<16xi32>
      %add3A_457 = arith.addi %add3A_454, %convert_element_type3A_456 : vector<16xi32>
      %ge3A_458 = arith.cmpi sge, %add3A_434, %gather3A_48 : vector<16xi32>
      %convert_element_type3A_459 = arith.extui %ge3A_458 : vector<16xi1> to vector<16xi32>
      %add3A_460 = arith.addi %add3A_457, %convert_element_type3A_459 : vector<16xi32>
      %ge3A_461 = arith.cmpi sge, %add3A_434, %gather3A_51 : vector<16xi32>
      %convert_element_type3A_462 = arith.extui %ge3A_461 : vector<16xi1> to vector<16xi32>
      %add3A_463 = arith.addi %add3A_460, %convert_element_type3A_462 : vector<16xi32>
      %ge3A_464 = arith.cmpi sge, %add3A_434, %gather3A_54 : vector<16xi32>
      %convert_element_type3A_465 = arith.extui %ge3A_464 : vector<16xi1> to vector<16xi32>
      %add3A_466 = arith.addi %add3A_463, %convert_element_type3A_465 : vector<16xi32>
      %ge3A_467 = arith.cmpi sge, %add3A_434, %gather3A_57 : vector<16xi32>
      %convert_element_type3A_468 = arith.extui %ge3A_467 : vector<16xi1> to vector<16xi32>
      %add3A_469 = arith.addi %add3A_466, %convert_element_type3A_468 : vector<16xi32>
      %ge3A_470 = arith.cmpi sge, %add3A_434, %gather3A_60 : vector<16xi32>
      %convert_element_type3A_471 = arith.extui %ge3A_470 : vector<16xi1> to vector<16xi32>
      %add3A_472 = arith.addi %add3A_469, %convert_element_type3A_471 : vector<16xi32>
      %ge3A_473 = arith.cmpi sge, %add3A_434, %gather3A_63 : vector<16xi32>
      %convert_element_type3A_474 = arith.extui %ge3A_473 : vector<16xi1> to vector<16xi32>
      %add3A_475 = arith.addi %add3A_472, %convert_element_type3A_474 : vector<16xi32>
      %ge3A_476 = arith.cmpi sge, %add3A_434, %gather3A_66 : vector<16xi32>
      %convert_element_type3A_477 = arith.extui %ge3A_476 : vector<16xi1> to vector<16xi32>
      %add3A_478 = arith.addi %add3A_475, %convert_element_type3A_477 : vector<16xi32>
      %ge3A_479 = arith.cmpi sge, %add3A_434, %gather3A_69 : vector<16xi32>
      %convert_element_type3A_480 = arith.extui %ge3A_479 : vector<16xi1> to vector<16xi32>
      %add3A_481 = arith.addi %add3A_478, %convert_element_type3A_480 : vector<16xi32>
      %ge3A_482 = arith.cmpi sge, %add3A_434, %gather3A_72 : vector<16xi32>
      %convert_element_type3A_483 = arith.extui %ge3A_482 : vector<16xi1> to vector<16xi32>
      %add3A_484 = arith.addi %add3A_481, %convert_element_type3A_483 : vector<16xi32>
      %gather3A_485 = tpu.vector_load_idx %arg13[%add3A_484] : memref<128xi32, #tpu.memory_space<vmem>>[vector<16xi32>], vector<16xi32>,
      %mul3A_486 = arith.constant 128 : i32
      %mul3A_487 = vector.broadcast %mul3A_486 : i32 to vector<16xi32>
      %mul3A_488 = arith.muli %add3A_484, %mul3A_487 : vector<16xi32>
      %add3A_489 = arith.addi %gather3A_485, %mul3A_488 : vector<16xi32>
      %ge3A_490 = arith.cmpi sge, %add3A_434, %add3A_489 : vector<16xi32>
      %mul3A_491 = arith.constant 128 : i32
      %mul3A_492 = vector.broadcast %mul3A_491 : i32 to vector<16xi32>
      %mul3A_493 = arith.muli %add3A_484, %mul3A_492 : vector<16xi32>
      %sub3A_494 = arith.subi %add3A_434, %mul3A_493 : vector<16xi32>
      %sub3A_495 = vector.broadcast %multiple_of3A : i32 to vector<16xi32>
      %sub3A_496 = arith.subi %sub3A_494, %sub3A_495 : vector<16xi32>
      %min3A_497 = arith.constant 3199 : i32
      %min3A_498 = vector.broadcast %min3A_497 : i32 to vector<16xi32>
      %min3A_499 = arith.minsi %sub3A_496, %min3A_498 : vector<16xi32>
      %sub3A_500 = arith.subi %add3A_434, %gather3A_485 : vector<16xi32>
      %max3A_501 = arith.constant 0 : i32
      %max3A_502 = vector.broadcast %max3A_501 : i32 to vector<16xi32>
      %max3A_503 = arith.maxsi %sub3A_500, %max3A_502 : vector<16xi32>
      %gather3A_504 = tpu.vector_load_idx %arg10[%min3A_499] : memref<3200xi32, #tpu.memory_space<vmem>>[vector<16xi32>], vector<16xi32>,
      %gather3A_505 = tpu.vector_load_idx %arg11[%max3A_503] : memref<2048xi32, #tpu.memory_space<vmem>>[vector<16xi32>], vector<16xi32>,
      %select_n3A_506 = arith.select %ge3A_490, %gather3A_505, %gather3A_504 : vector<16xi1>, vector<16xi32>
      %mul3A_507 = arith.constant 16 : i32
      %mul3A_508 = arith.muli %scan3A_429, %mul3A_507 : i32
      %swap3A_509 = arith.index_cast %mul3A_508 : i32 to index
      %swap3A_510 = tpu.vector_load %arg16[%swap3A_509] {strides = array<i32>} : memref<1088xi32, #tpu.memory_space<vmem>>, vector<16xi32>,
      tpu.vector_store %arg16[%swap3A_509], %select_n3A_506 {strides = array<i32>} : memref<1088xi32, #tpu.memory_space<vmem>>, vector<16xi32>,
    }
    %scan3A_80 = arith.constant 8 : i32
    %dma_start3A_81 = arith.constant 0 : i32
    %dma_start3A_82 = arith.constant 0 : i32
    %dma_start3A_83 = tpu.memref_slice %arg17[%dma_start3A_81, %dma_start3A_82] : memref<128x128xf32, #tpu.memory_space<vmem>> -> memref<128x128xf32, #tpu.memory_space<vmem>>
    %dma_start3A_84 = arith.constant 0 : i32
    %dma_start3A_85 = tpu.memref_slice %arg16[%dma_start3A_84] : memref<1088xi32, #tpu.memory_space<vmem>> -> memref<128xi32, #tpu.memory_space<vmem>>
    %dma_start3A_86 = arith.constant 0 : i32
    %dma_start3A_87 = arith.constant 0 : i32
    %dma_start3A_88 = tpu.memref_slice %arg2[%dma_start3A_86, %dma_start3A_87] : memref<1000000x128xf32, #tpu.memory_space<hbm>> -> memref<1000000x128xf32, #tpu.memory_space<hbm>>
    tpu.enqueue_indirect_dma source(%dma_start3A_88 : memref<1000000x128xf32, #tpu.memory_space<hbm>>) target(%dma_start3A_83 : memref<128x128xf32, #tpu.memory_space<vmem>>) offsets(%dma_start3A_85 : memref<128xi32, #tpu.memory_space<vmem>>) semaphore(%arg21 : memref<!tpu.dma_semaphore, #tpu.memory_space<semaphore_mem>>)
    %scan3A_89 = arith.constant 0 : i32
    %scan3A_90 = arith.constant 8 : i32
    %scan3A_91 = arith.constant 60 : i32
    %scan3A_92 = arith.addi %scan3A_90, %scan3A_91 : i32
    %scan3A_93 = arith.constant 1 : i32
    scf.for %scan3A_429 = %scan3A_90 to %scan3A_92 step %scan3A_93  : i32 {
      %mul3A_430 = arith.constant 16 : i32
      %mul3A_431 = arith.muli %scan3A_429, %mul3A_430 : i32
      %add3A_432 = arith.addi %mul3A_2, %mul3A_431 : i32
      %add3A_433 = vector.broadcast %add3A_432 : i32 to vector<16xi32>
      %add3A_434 = arith.addi %add3A_433, %iota3A : vector<16xi32>
      %broadcast_in_dim3A_435 = arith.constant 0 : i32
      %broadcast_in_dim3A_436 = vector.broadcast %broadcast_in_dim3A_435 : i32 to vector<16xi32>
      %ge3A_437 = arith.cmpi sge, %add3A_434, %gather3A_27 : vector<16xi32>
      %convert_element_type3A_438 = arith.extui %ge3A_437 : vector<16xi1> to vector<16xi32>
      %add3A_439 = arith.addi %broadcast_in_dim3A_436, %convert_element_type3A_438 : vector<16xi32>
      %ge3A_440 = arith.cmpi sge, %add3A_434, %gather3A_30 : vector<16xi32>
      %convert_element_type3A_441 = arith.extui %ge3A_440 : vector<16xi1> to vector<16xi32>
      %add3A_442 = arith.addi %add3A_439, %convert_element_type3A_441 : vector<16xi32>
      %ge3A_443 = arith.cmpi sge, %add3A_434, %gather3A_33 : vector<16xi32>
      %convert_element_type3A_444 = arith.extui %ge3A_443 : vector<16xi1> to vector<16xi32>
      %add3A_445 = arith.addi %add3A_442, %convert_element_type3A_444 : vector<16xi32>
      %ge3A_446 = arith.cmpi sge, %add3A_434, %gather3A_36 : vector<16xi32>
      %convert_element_type3A_447 = arith.extui %ge3A_446 : vector<16xi1> to vector<16xi32>
      %add3A_448 = arith.addi %add3A_445, %convert_element_type3A_447 : vector<16xi32>
      %ge3A_449 = arith.cmpi sge, %add3A_434, %gather3A_39 : vector<16xi32>
      %convert_element_type3A_450 = arith.extui %ge3A_449 : vector<16xi1> to vector<16xi32>
      %add3A_451 = arith.addi %add3A_448, %convert_element_type3A_450 : vector<16xi32>
      %ge3A_452 = arith.cmpi sge, %add3A_434, %gather3A_42 : vector<16xi32>
      %convert_element_type3A_453 = arith.extui %ge3A_452 : vector<16xi1> to vector<16xi32>
      %add3A_454 = arith.addi %add3A_451, %convert_element_type3A_453 : vector<16xi32>
      %ge3A_455 = arith.cmpi sge, %add3A_434, %gather3A_45 : vector<16xi32>
      %convert_element_type3A_456 = arith.extui %ge3A_455 : vector<16xi1> to vector<16xi32>
      %add3A_457 = arith.addi %add3A_454, %convert_element_type3A_456 : vector<16xi32>
      %ge3A_458 = arith.cmpi sge, %add3A_434, %gather3A_48 : vector<16xi32>
      %convert_element_type3A_459 = arith.extui %ge3A_458 : vector<16xi1> to vector<16xi32>
      %add3A_460 = arith.addi %add3A_457, %convert_element_type3A_459 : vector<16xi32>
      %ge3A_461 = arith.cmpi sge, %add3A_434, %gather3A_51 : vector<16xi32>
      %convert_element_type3A_462 = arith.extui %ge3A_461 : vector<16xi1> to vector<16xi32>
      %add3A_463 = arith.addi %add3A_460, %convert_element_type3A_462 : vector<16xi32>
      %ge3A_464 = arith.cmpi sge, %add3A_434, %gather3A_54 : vector<16xi32>
      %convert_element_type3A_465 = arith.extui %ge3A_464 : vector<16xi1> to vector<16xi32>
      %add3A_466 = arith.addi %add3A_463, %convert_element_type3A_465 : vector<16xi32>
      %ge3A_467 = arith.cmpi sge, %add3A_434, %gather3A_57 : vector<16xi32>
      %convert_element_type3A_468 = arith.extui %ge3A_467 : vector<16xi1> to vector<16xi32>
      %add3A_469 = arith.addi %add3A_466, %convert_element_type3A_468 : vector<16xi32>
      %ge3A_470 = arith.cmpi sge, %add3A_434, %gather3A_60 : vector<16xi32>
      %convert_element_type3A_471 = arith.extui %ge3A_470 : vector<16xi1> to vector<16xi32>
      %add3A_472 = arith.addi %add3A_469, %convert_element_type3A_471 : vector<16xi32>
      %ge3A_473 = arith.cmpi sge, %add3A_434, %gather3A_63 : vector<16xi32>
      %convert_element_type3A_474 = arith.extui %ge3A_473 : vector<16xi1> to vector<16xi32>
      %add3A_475 = arith.addi %add3A_472, %convert_element_type3A_474 : vector<16xi32>
      %ge3A_476 = arith.cmpi sge, %add3A_434, %gather3A_66 : vector<16xi32>
      %convert_element_type3A_477 = arith.extui %ge3A_476 : vector<16xi1> to vector<16xi32>
      %add3A_478 = arith.addi %add3A_475, %convert_element_type3A_477 : vector<16xi32>
      %ge3A_479 = arith.cmpi sge, %add3A_434, %gather3A_69 : vector<16xi32>
      %convert_element_type3A_480 = arith.extui %ge3A_479 : vector<16xi1> to vector<16xi32>
      %add3A_481 = arith.addi %add3A_478, %convert_element_type3A_480 : vector<16xi32>
      %ge3A_482 = arith.cmpi sge, %add3A_434, %gather3A_72 : vector<16xi32>
      %convert_element_type3A_483 = arith.extui %ge3A_482 : vector<16xi1> to vector<16xi32>
      %add3A_484 = arith.addi %add3A_481, %convert_element_type3A_483 : vector<16xi32>
      %gather3A_485 = tpu.vector_load_idx %arg13[%add3A_484] : memref<128xi32, #tpu.memory_space<vmem>>[vector<16xi32>], vector<16xi32>,
      %mul3A_486 = arith.constant 128 : i32
      %mul3A_487 = vector.broadcast %mul3A_486 : i32 to vector<16xi32>
      %mul3A_488 = arith.muli %add3A_484, %mul3A_487 : vector<16xi32>
      %add3A_489 = arith.addi %gather3A_485, %mul3A_488 : vector<16xi32>
      %ge3A_490 = arith.cmpi sge, %add3A_434, %add3A_489 : vector<16xi32>
      %mul3A_491 = arith.constant 128 : i32
      %mul3A_492 = vector.broadcast %mul3A_491 : i32 to vector<16xi32>
      %mul3A_493 = arith.muli %add3A_484, %mul3A_492 : vector<16xi32>
      %sub3A_494 = arith.subi %add3A_434, %mul3A_493 : vector<16xi32>
      %sub3A_495 = vector.broadcast %multiple_of3A : i32 to vector<16xi32>
      %sub3A_496 = arith.subi %sub3A_494, %sub3A_495 : vector<16xi32>
      %min3A_497 = arith.constant 3199 : i32
      %min3A_498 = vector.broadcast %min3A_497 : i32 to vector<16xi32>
      %min3A_499 = arith.minsi %sub3A_496, %min3A_498 : vector<16xi32>
      %sub3A_500 = arith.subi %add3A_434, %gather3A_485 : vector<16xi32>
      %max3A_501 = arith.constant 0 : i32
      %max3A_502 = vector.broadcast %max3A_501 : i32 to vector<16xi32>
      %max3A_503 = arith.maxsi %sub3A_500, %max3A_502 : vector<16xi32>
      %gather3A_504 = tpu.vector_load_idx %arg10[%min3A_499] : memref<3200xi32, #tpu.memory_space<vmem>>[vector<16xi32>], vector<16xi32>,
      %gather3A_505 = tpu.vector_load_idx %arg11[%max3A_503] : memref<2048xi32, #tpu.memory_space<vmem>>[vector<16xi32>], vector<16xi32>,
      %select_n3A_506 = arith.select %ge3A_490, %gather3A_505, %gather3A_504 : vector<16xi1>, vector<16xi32>
      %mul3A_507 = arith.constant 16 : i32
      %mul3A_508 = arith.muli %scan3A_429, %mul3A_507 : i32
      %swap3A_509 = arith.index_cast %mul3A_508 : i32 to index
      %swap3A_510 = tpu.vector_load %arg16[%swap3A_509] {strides = array<i32>} : memref<1088xi32, #tpu.memory_space<vmem>>, vector<16xi32>,
      tpu.vector_store %arg16[%swap3A_509], %select_n3A_506 {strides = array<i32>} : memref<1088xi32, #tpu.memory_space<vmem>>, vector<16xi32>,
    }
    %scan3A_94 = arith.constant 60 : i32
    %dma_start3A_95 = arith.constant 0 : i32
    %dma_start3A_96 = arith.constant 0 : i32
    %dma_start3A_97 = tpu.memref_slice %arg18[%dma_start3A_95, %dma_start3A_96] : memref<128x128xf32, #tpu.memory_space<vmem>> -> memref<128x128xf32, #tpu.memory_space<vmem>>
    %dma_start3A_98 = arith.constant 128 : i32
    %dma_start3A_99 = tpu.memref_slice %arg16[%dma_start3A_98] : memref<1088xi32, #tpu.memory_space<vmem>> -> memref<128xi32, #tpu.memory_space<vmem>>
    %dma_start3A_100 = arith.constant 0 : i32
    %dma_start3A_101 = arith.constant 0 : i32
    %dma_start3A_102 = tpu.memref_slice %arg2[%dma_start3A_100, %dma_start3A_101] : memref<1000000x128xf32, #tpu.memory_space<hbm>> -> memref<1000000x128xf32, #tpu.memory_space<hbm>>
    tpu.enqueue_indirect_dma source(%dma_start3A_102 : memref<1000000x128xf32, #tpu.memory_space<hbm>>) target(%dma_start3A_97 : memref<128x128xf32, #tpu.memory_space<vmem>>) offsets(%dma_start3A_99 : memref<128xi32, #tpu.memory_space<vmem>>) semaphore(%arg22 : memref<!tpu.dma_semaphore, #tpu.memory_space<semaphore_mem>>)
    %dma_wait3A_103 = arith.constant 0 : i32
    %dma_wait3A_104 = arith.constant 0 : i32
    %dma_wait3A_105 = tpu.memref_slice %arg17[%dma_wait3A_103, %dma_wait3A_104] : memref<128x128xf32, #tpu.memory_space<vmem>> -> memref<128x128xf32, #tpu.memory_space<vmem>>
    %dma_wait3A_106 = arith.constant 0 : i32
    %dma_wait3A_107 = tpu.memref_slice %arg16[%dma_wait3A_106] : memref<1088xi32, #tpu.memory_space<vmem>> -> memref<128xi32, #tpu.memory_space<vmem>>
    %dma_wait3A_108 = arith.constant 0 : i32
    %dma_wait3A_109 = arith.constant 0 : i32
    %dma_wait3A_110 = tpu.memref_slice %arg2[%dma_wait3A_108, %dma_wait3A_109] : memref<1000000x128xf32, #tpu.memory_space<hbm>> -> memref<1000000x128xf32, #tpu.memory_space<hbm>>
    tpu.wait_indirect_dma semaphore(%arg21 : memref<!tpu.dma_semaphore, #tpu.memory_space<semaphore_mem>>) src(%dma_wait3A_110 : memref<1000000x128xf32, #tpu.memory_space<hbm>>) dst(%dma_wait3A_105 : memref<128x128xf32, #tpu.memory_space<vmem>>)
    %add3A_111 = arith.constant 0 : i32
    %add3A_112 = arith.addi %mul3A_2, %add3A_111 : i32
    %dma_start3A_113 = arith.constant 0 : i32
    %dma_start3A_114 = arith.constant 0 : i32
    %dma_start3A_115 = tpu.memref_slice %arg17[%dma_start3A_113, %dma_start3A_114] : memref<128x128xf32, #tpu.memory_space<vmem>> -> memref<128x128xf32, #tpu.memory_space<vmem>>
    %dma_start3A_116 = arith.constant 0 : i32
    %dma_start3A_117 = tpu.memref_slice %arg6[%add3A_112, %dma_start3A_116] : memref<34816x128xf32, #tpu.memory_space<hbm>> -> memref<128x128xf32, #tpu.memory_space<hbm>>
    %dma_start3A_118 = arith.constant 0 : i32
    %dma_start3A_119 = tpu.memref_slice %arg6[%add3A_112, %dma_start3A_118] : memref<34816x128xf32, #tpu.memory_space<hbm>> -> memref<128x128xf32, #tpu.memory_space<hbm>>
    %dma_start3A_120 = arith.constant 0 : i32
    %dma_start3A_121 = arith.constant 0 : i32
    %dma_start3A_122 = tpu.memref_slice %arg17[%dma_start3A_120, %dma_start3A_121] : memref<128x128xf32, #tpu.memory_space<vmem>> -> memref<128x128xf32, #tpu.memory_space<vmem>>
    tpu.enqueue_dma source(%dma_start3A_122 : memref<128x128xf32, #tpu.memory_space<vmem>>) target(%dma_start3A_119 : memref<128x128xf32, #tpu.memory_space<hbm>>) target_semaphore(%arg25 : memref<!tpu.dma_semaphore, #tpu.memory_space<semaphore_mem>>)
    %dma_start3A_123 = arith.constant 0 : i32
    %dma_start3A_124 = arith.constant 0 : i32
    %dma_start3A_125 = tpu.memref_slice %arg19[%dma_start3A_123, %dma_start3A_124] : memref<128x128xf32, #tpu.memory_space<vmem>> -> memref<128x128xf32, #tpu.memory_space<vmem>>
    %dma_start3A_126 = arith.constant 256 : i32
    %dma_start3A_127 = tpu.memref_slice %arg16[%dma_start3A_126] : memref<1088xi32, #tpu.memory_space<vmem>> -> memref<128xi32, #tpu.memory_space<vmem>>
    %dma_start3A_128 = arith.constant 0 : i32
    %dma_start3A_129 = arith.constant 0 : i32
    %dma_start3A_130 = tpu.memref_slice %arg2[%dma_start3A_128, %dma_start3A_129] : memref<1000000x128xf32, #tpu.memory_space<hbm>> -> memref<1000000x128xf32, #tpu.memory_space<hbm>>
    tpu.enqueue_indirect_dma source(%dma_start3A_130 : memref<1000000x128xf32, #tpu.memory_space<hbm>>) target(%dma_start3A_125 : memref<128x128xf32, #tpu.memory_space<vmem>>) offsets(%dma_start3A_127 : memref<128xi32, #tpu.memory_space<vmem>>) semaphore(%arg23 : memref<!tpu.dma_semaphore, #tpu.memory_space<semaphore_mem>>)
    %dma_wait3A_131 = arith.constant 0 : i32
    %dma_wait3A_132 = arith.constant 0 : i32
    %dma_wait3A_133 = tpu.memref_slice %arg18[%dma_wait3A_131, %dma_wait3A_132] : memref<128x128xf32, #tpu.memory_space<vmem>> -> memref<128x128xf32, #tpu.memory_space<vmem>>
    %dma_wait3A_134 = arith.constant 128 : i32
    %dma_wait3A_135 = tpu.memref_slice %arg16[%dma_wait3A_134] : memref<1088xi32, #tpu.memory_space<vmem>> -> memref<128xi32, #tpu.memory_space<vmem>>
    %dma_wait3A_136 = arith.constant 0 : i32
    %dma_wait3A_137 = arith.constant 0 : i32
    %dma_wait3A_138 = tpu.memref_slice %arg2[%dma_wait3A_136, %dma_wait3A_137] : memref<1000000x128xf32, #tpu.memory_space<hbm>> -> memref<1000000x128xf32, #tpu.memory_space<hbm>>
    tpu.wait_indirect_dma semaphore(%arg22 : memref<!tpu.dma_semaphore, #tpu.memory_space<semaphore_mem>>) src(%dma_wait3A_138 : memref<1000000x128xf32, #tpu.memory_space<hbm>>) dst(%dma_wait3A_133 : memref<128x128xf32, #tpu.memory_space<vmem>>)
    %add3A_139 = arith.constant 128 : i32
    %add3A_140 = arith.addi %mul3A_2, %add3A_139 : i32
    %dma_start3A_141 = arith.constant 0 : i32
    %dma_start3A_142 = arith.constant 0 : i32
    %dma_start3A_143 = tpu.memref_slice %arg18[%dma_start3A_141, %dma_start3A_142] : memref<128x128xf32, #tpu.memory_space<vmem>> -> memref<128x128xf32, #tpu.memory_space<vmem>>
    %dma_start3A_144 = arith.constant 0 : i32
    %dma_start3A_145 = tpu.memref_slice %arg6[%add3A_140, %dma_start3A_144] : memref<34816x128xf32, #tpu.memory_space<hbm>> -> memref<128x128xf32, #tpu.memory_space<hbm>>
    %dma_start3A_146 = arith.constant 0 : i32
    %dma_start3A_147 = tpu.memref_slice %arg6[%add3A_140, %dma_start3A_146] : memref<34816x128xf32, #tpu.memory_space<hbm>> -> memref<128x128xf32, #tpu.memory_space<hbm>>
    %dma_start3A_148 = arith.constant 0 : i32
    %dma_start3A_149 = arith.constant 0 : i32
    %dma_start3A_150 = tpu.memref_slice %arg18[%dma_start3A_148, %dma_start3A_149] : memref<128x128xf32, #tpu.memory_space<vmem>> -> memref<128x128xf32, #tpu.memory_space<vmem>>
    tpu.enqueue_dma source(%dma_start3A_150 : memref<128x128xf32, #tpu.memory_space<vmem>>) target(%dma_start3A_147 : memref<128x128xf32, #tpu.memory_space<hbm>>) target_semaphore(%arg26 : memref<!tpu.dma_semaphore, #tpu.memory_space<semaphore_mem>>)
    %dma_start3A_151 = arith.constant 0 : i32
    %dma_start3A_152 = arith.constant 0 : i32
    %dma_start3A_153 = tpu.memref_slice %arg20[%dma_start3A_151, %dma_start3A_152] : memref<128x128xf32, #tpu.memory_space<vmem>> -> memref<128x128xf32, #tpu.memory_space<vmem>>
    %dma_start3A_154 = arith.constant 384 : i32
    %dma_start3A_155 = tpu.memref_slice %arg16[%dma_start3A_154] : memref<1088xi32, #tpu.memory_space<vmem>> -> memref<128xi32, #tpu.memory_space<vmem>>
    %dma_start3A_156 = arith.constant 0 : i32
    %dma_start3A_157 = arith.constant 0 : i32
    %dma_start3A_158 = tpu.memref_slice %arg2[%dma_start3A_156, %dma_start3A_157] : memref<1000000x128xf32, #tpu.memory_space<hbm>> -> memref<1000000x128xf32, #tpu.memory_space<hbm>>
    tpu.enqueue_indirect_dma source(%dma_start3A_158 : memref<1000000x128xf32, #tpu.memory_space<hbm>>) target(%dma_start3A_153 : memref<128x128xf32, #tpu.memory_space<vmem>>) offsets(%dma_start3A_155 : memref<128xi32, #tpu.memory_space<vmem>>) semaphore(%arg24 : memref<!tpu.dma_semaphore, #tpu.memory_space<semaphore_mem>>)
    %dma_wait3A_159 = arith.constant 0 : i32
    %dma_wait3A_160 = arith.constant 0 : i32
    %dma_wait3A_161 = tpu.memref_slice %arg19[%dma_wait3A_159, %dma_wait3A_160] : memref<128x128xf32, #tpu.memory_space<vmem>> -> memref<128x128xf32, #tpu.memory_space<vmem>>
    %dma_wait3A_162 = arith.constant 256 : i32
    %dma_wait3A_163 = tpu.memref_slice %arg16[%dma_wait3A_162] : memref<1088xi32, #tpu.memory_space<vmem>> -> memref<128xi32, #tpu.memory_space<vmem>>
    %dma_wait3A_164 = arith.constant 0 : i32
    %dma_wait3A_165 = arith.constant 0 : i32
    %dma_wait3A_166 = tpu.memref_slice %arg2[%dma_wait3A_164, %dma_wait3A_165] : memref<1000000x128xf32, #tpu.memory_space<hbm>> -> memref<1000000x128xf32, #tpu.memory_space<hbm>>
    tpu.wait_indirect_dma semaphore(%arg23 : memref<!tpu.dma_semaphore, #tpu.memory_space<semaphore_mem>>) src(%dma_wait3A_166 : memref<1000000x128xf32, #tpu.memory_space<hbm>>) dst(%dma_wait3A_161 : memref<128x128xf32, #tpu.memory_space<vmem>>)
    %add3A_167 = arith.constant 256 : i32
    %add3A_168 = arith.addi %mul3A_2, %add3A_167 : i32
    %dma_start3A_169 = arith.constant 0 : i32
    %dma_start3A_170 = arith.constant 0 : i32
    %dma_start3A_171 = tpu.memref_slice %arg19[%dma_start3A_169, %dma_start3A_170] : memref<128x128xf32, #tpu.memory_space<vmem>> -> memref<128x128xf32, #tpu.memory_space<vmem>>
    %dma_start3A_172 = arith.constant 0 : i32
    %dma_start3A_173 = tpu.memref_slice %arg6[%add3A_168, %dma_start3A_172] : memref<34816x128xf32, #tpu.memory_space<hbm>> -> memref<128x128xf32, #tpu.memory_space<hbm>>
    %dma_start3A_174 = arith.constant 0 : i32
    %dma_start3A_175 = tpu.memref_slice %arg6[%add3A_168, %dma_start3A_174] : memref<34816x128xf32, #tpu.memory_space<hbm>> -> memref<128x128xf32, #tpu.memory_space<hbm>>
    %dma_start3A_176 = arith.constant 0 : i32
    %dma_start3A_177 = arith.constant 0 : i32
    %dma_start3A_178 = tpu.memref_slice %arg19[%dma_start3A_176, %dma_start3A_177] : memref<128x128xf32, #tpu.memory_space<vmem>> -> memref<128x128xf32, #tpu.memory_space<vmem>>
    tpu.enqueue_dma source(%dma_start3A_178 : memref<128x128xf32, #tpu.memory_space<vmem>>) target(%dma_start3A_175 : memref<128x128xf32, #tpu.memory_space<hbm>>) target_semaphore(%arg27 : memref<!tpu.dma_semaphore, #tpu.memory_space<semaphore_mem>>)
    %dma_wait3A_179 = arith.constant 0 : i32
    %dma_wait3A_180 = arith.constant 0 : i32
    %dma_wait3A_181 = tpu.memref_slice %arg17[%dma_wait3A_179, %dma_wait3A_180] : memref<128x128xf32, #tpu.memory_space<vmem>> -> memref<128x128xf32, #tpu.memory_space<vmem>>
    %dma_wait3A_182 = arith.constant 0 : i32
    %dma_wait3A_183 = tpu.memref_slice %arg6[%add3A_112, %dma_wait3A_182] : memref<34816x128xf32, #tpu.memory_space<hbm>> -> memref<128x128xf32, #tpu.memory_space<hbm>>
    %dma_wait3A_184 = arith.constant 0 : i32
    %dma_wait3A_185 = tpu.memref_slice %arg6[%add3A_112, %dma_wait3A_184] : memref<34816x128xf32, #tpu.memory_space<hbm>> -> memref<128x128xf32, #tpu.memory_space<hbm>>
    %dma_wait3A_186 = arith.constant 0 : i32
    %dma_wait3A_187 = arith.constant 0 : i32
    %dma_wait3A_188 = tpu.memref_slice %arg17[%dma_wait3A_186, %dma_wait3A_187] : memref<128x128xf32, #tpu.memory_space<vmem>> -> memref<128x128xf32, #tpu.memory_space<vmem>>
    tpu.wait_dma2 semaphore(%arg25 : memref<!tpu.dma_semaphore, #tpu.memory_space<semaphore_mem>>) src(%dma_wait3A_188 : memref<128x128xf32, #tpu.memory_space<vmem>>) dst(%dma_wait3A_185 : memref<128x128xf32, #tpu.memory_space<hbm>>)
    %dma_start3A_189 = arith.constant 0 : i32
    %dma_start3A_190 = arith.constant 0 : i32
    %dma_start3A_191 = tpu.memref_slice %arg17[%dma_start3A_189, %dma_start3A_190] : memref<128x128xf32, #tpu.memory_space<vmem>> -> memref<128x128xf32, #tpu.memory_space<vmem>>
    %dma_start3A_192 = arith.constant 512 : i32
    %dma_start3A_193 = tpu.memref_slice %arg16[%dma_start3A_192] : memref<1088xi32, #tpu.memory_space<vmem>> -> memref<128xi32, #tpu.memory_space<vmem>>
    %dma_start3A_194 = arith.constant 0 : i32
    %dma_start3A_195 = arith.constant 0 : i32
    %dma_start3A_196 = tpu.memref_slice %arg2[%dma_start3A_194, %dma_start3A_195] : memref<1000000x128xf32, #tpu.memory_space<hbm>> -> memref<1000000x128xf32, #tpu.memory_space<hbm>>
    tpu.enqueue_indirect_dma source(%dma_start3A_196 : memref<1000000x128xf32, #tpu.memory_space<hbm>>) target(%dma_start3A_191 : memref<128x128xf32, #tpu.memory_space<vmem>>) offsets(%dma_start3A_193 : memref<128xi32, #tpu.memory_space<vmem>>) semaphore(%arg21 : memref<!tpu.dma_semaphore, #tpu.memory_space<semaphore_mem>>)
    %dma_wait3A_197 = arith.constant 0 : i32
    %dma_wait3A_198 = arith.constant 0 : i32
    %dma_wait3A_199 = tpu.memref_slice %arg20[%dma_wait3A_197, %dma_wait3A_198] : memref<128x128xf32, #tpu.memory_space<vmem>> -> memref<128x128xf32, #tpu.memory_space<vmem>>
    %dma_wait3A_200 = arith.constant 384 : i32
    %dma_wait3A_201 = tpu.memref_slice %arg16[%dma_wait3A_200] : memref<1088xi32, #tpu.memory_space<vmem>> -> memref<128xi32, #tpu.memory_space<vmem>>
    %dma_wait3A_202 = arith.constant 0 : i32
    %dma_wait3A_203 = arith.constant 0 : i32
    %dma_wait3A_204 = tpu.memref_slice %arg2[%dma_wait3A_202, %dma_wait3A_203] : memref<1000000x128xf32, #tpu.memory_space<hbm>> -> memref<1000000x128xf32, #tpu.memory_space<hbm>>
    tpu.wait_indirect_dma semaphore(%arg24 : memref<!tpu.dma_semaphore, #tpu.memory_space<semaphore_mem>>) src(%dma_wait3A_204 : memref<1000000x128xf32, #tpu.memory_space<hbm>>) dst(%dma_wait3A_199 : memref<128x128xf32, #tpu.memory_space<vmem>>)
    %add3A_205 = arith.constant 384 : i32
    %add3A_206 = arith.addi %mul3A_2, %add3A_205 : i32
    %dma_start3A_207 = arith.constant 0 : i32
    %dma_start3A_208 = arith.constant 0 : i32
    %dma_start3A_209 = tpu.memref_slice %arg20[%dma_start3A_207, %dma_start3A_208] : memref<128x128xf32, #tpu.memory_space<vmem>> -> memref<128x128xf32, #tpu.memory_space<vmem>>
    %dma_start3A_210 = arith.constant 0 : i32
    %dma_start3A_211 = tpu.memref_slice %arg6[%add3A_206, %dma_start3A_210] : memref<34816x128xf32, #tpu.memory_space<hbm>> -> memref<128x128xf32, #tpu.memory_space<hbm>>
    %dma_start3A_212 = arith.constant 0 : i32
    %dma_start3A_213 = tpu.memref_slice %arg6[%add3A_206, %dma_start3A_212] : memref<34816x128xf32, #tpu.memory_space<hbm>> -> memref<128x128xf32, #tpu.memory_space<hbm>>
    %dma_start3A_214 = arith.constant 0 : i32
    %dma_start3A_215 = arith.constant 0 : i32
    %dma_start3A_216 = tpu.memref_slice %arg20[%dma_start3A_214, %dma_start3A_215] : memref<128x128xf32, #tpu.memory_space<vmem>> -> memref<128x128xf32, #tpu.memory_space<vmem>>
    tpu.enqueue_dma source(%dma_start3A_216 : memref<128x128xf32, #tpu.memory_space<vmem>>) target(%dma_start3A_213 : memref<128x128xf32, #tpu.memory_space<hbm>>) target_semaphore(%arg28 : memref<!tpu.dma_semaphore, #tpu.memory_space<semaphore_mem>>)
    %dma_wait3A_217 = arith.constant 0 : i32
    %dma_wait3A_218 = arith.constant 0 : i32
    %dma_wait3A_219 = tpu.memref_slice %arg18[%dma_wait3A_217, %dma_wait3A_218] : memref<128x128xf32, #tpu.memory_space<vmem>> -> memref<128x128xf32, #tpu.memory_space<vmem>>
    %dma_wait3A_220 = arith.constant 0 : i32
    %dma_wait3A_221 = tpu.memref_slice %arg6[%add3A_140, %dma_wait3A_220] : memref<34816x128xf32, #tpu.memory_space<hbm>> -> memref<128x128xf32, #tpu.memory_space<hbm>>
    %dma_wait3A_222 = arith.constant 0 : i32
    %dma_wait3A_223 = tpu.memref_slice %arg6[%add3A_140, %dma_wait3A_222] : memref<34816x128xf32, #tpu.memory_space<hbm>> -> memref<128x128xf32, #tpu.memory_space<hbm>>
    %dma_wait3A_224 = arith.constant 0 : i32
    %dma_wait3A_225 = arith.constant 0 : i32
    %dma_wait3A_226 = tpu.memref_slice %arg18[%dma_wait3A_224, %dma_wait3A_225] : memref<128x128xf32, #tpu.memory_space<vmem>> -> memref<128x128xf32, #tpu.memory_space<vmem>>
    tpu.wait_dma2 semaphore(%arg26 : memref<!tpu.dma_semaphore, #tpu.memory_space<semaphore_mem>>) src(%dma_wait3A_226 : memref<128x128xf32, #tpu.memory_space<vmem>>) dst(%dma_wait3A_223 : memref<128x128xf32, #tpu.memory_space<hbm>>)
    %dma_start3A_227 = arith.constant 0 : i32
    %dma_start3A_228 = arith.constant 0 : i32
    %dma_start3A_229 = tpu.memref_slice %arg18[%dma_start3A_227, %dma_start3A_228] : memref<128x128xf32, #tpu.memory_space<vmem>> -> memref<128x128xf32, #tpu.memory_space<vmem>>
    %dma_start3A_230 = arith.constant 640 : i32
    %dma_start3A_231 = tpu.memref_slice %arg16[%dma_start3A_230] : memref<1088xi32, #tpu.memory_space<vmem>> -> memref<128xi32, #tpu.memory_space<vmem>>
    %dma_start3A_232 = arith.constant 0 : i32
    %dma_start3A_233 = arith.constant 0 : i32
    %dma_start3A_234 = tpu.memref_slice %arg2[%dma_start3A_232, %dma_start3A_233] : memref<1000000x128xf32, #tpu.memory_space<hbm>> -> memref<1000000x128xf32, #tpu.memory_space<hbm>>
    tpu.enqueue_indirect_dma source(%dma_start3A_234 : memref<1000000x128xf32, #tpu.memory_space<hbm>>) target(%dma_start3A_229 : memref<128x128xf32, #tpu.memory_space<vmem>>) offsets(%dma_start3A_231 : memref<128xi32, #tpu.memory_space<vmem>>) semaphore(%arg22 : memref<!tpu.dma_semaphore, #tpu.memory_space<semaphore_mem>>)
    %dma_wait3A_235 = arith.constant 0 : i32
    %dma_wait3A_236 = arith.constant 0 : i32
    %dma_wait3A_237 = tpu.memref_slice %arg17[%dma_wait3A_235, %dma_wait3A_236] : memref<128x128xf32, #tpu.memory_space<vmem>> -> memref<128x128xf32, #tpu.memory_space<vmem>>
    %dma_wait3A_238 = arith.constant 512 : i32
    %dma_wait3A_239 = tpu.memref_slice %arg16[%dma_wait3A_238] : memref<1088xi32, #tpu.memory_space<vmem>> -> memref<128xi32, #tpu.memory_space<vmem>>
    %dma_wait3A_240 = arith.constant 0 : i32
    %dma_wait3A_241 = arith.constant 0 : i32
    %dma_wait3A_242 = tpu.memref_slice %arg2[%dma_wait3A_240, %dma_wait3A_241] : memref<1000000x128xf32, #tpu.memory_space<hbm>> -> memref<1000000x128xf32, #tpu.memory_space<hbm>>
    tpu.wait_indirect_dma semaphore(%arg21 : memref<!tpu.dma_semaphore, #tpu.memory_space<semaphore_mem>>) src(%dma_wait3A_242 : memref<1000000x128xf32, #tpu.memory_space<hbm>>) dst(%dma_wait3A_237 : memref<128x128xf32, #tpu.memory_space<vmem>>)
    %add3A_243 = arith.constant 512 : i32
    %add3A_244 = arith.addi %mul3A_2, %add3A_243 : i32
    %dma_start3A_245 = arith.constant 0 : i32
    %dma_start3A_246 = arith.constant 0 : i32
    %dma_start3A_247 = tpu.memref_slice %arg17[%dma_start3A_245, %dma_start3A_246] : memref<128x128xf32, #tpu.memory_space<vmem>> -> memref<128x128xf32, #tpu.memory_space<vmem>>
    %dma_start3A_248 = arith.constant 0 : i32
    %dma_start3A_249 = tpu.memref_slice %arg6[%add3A_244, %dma_start3A_248] : memref<34816x128xf32, #tpu.memory_space<hbm>> -> memref<128x128xf32, #tpu.memory_space<hbm>>
    %dma_start3A_250 = arith.constant 0 : i32
    %dma_start3A_251 = tpu.memref_slice %arg6[%add3A_244, %dma_start3A_250] : memref<34816x128xf32, #tpu.memory_space<hbm>> -> memref<128x128xf32, #tpu.memory_space<hbm>>
    %dma_start3A_252 = arith.constant 0 : i32
    %dma_start3A_253 = arith.constant 0 : i32
    %dma_start3A_254 = tpu.memref_slice %arg17[%dma_start3A_252, %dma_start3A_253] : memref<128x128xf32, #tpu.memory_space<vmem>> -> memref<128x128xf32, #tpu.memory_space<vmem>>
    tpu.enqueue_dma source(%dma_start3A_254 : memref<128x128xf32, #tpu.memory_space<vmem>>) target(%dma_start3A_251 : memref<128x128xf32, #tpu.memory_space<hbm>>) target_semaphore(%arg25 : memref<!tpu.dma_semaphore, #tpu.memory_space<semaphore_mem>>)
    %dma_wait3A_255 = arith.constant 0 : i32
    %dma_wait3A_256 = arith.constant 0 : i32
    %dma_wait3A_257 = tpu.memref_slice %arg19[%dma_wait3A_255, %dma_wait3A_256] : memref<128x128xf32, #tpu.memory_space<vmem>> -> memref<128x128xf32, #tpu.memory_space<vmem>>
    %dma_wait3A_258 = arith.constant 0 : i32
    %dma_wait3A_259 = tpu.memref_slice %arg6[%add3A_168, %dma_wait3A_258] : memref<34816x128xf32, #tpu.memory_space<hbm>> -> memref<128x128xf32, #tpu.memory_space<hbm>>
    %dma_wait3A_260 = arith.constant 0 : i32
    %dma_wait3A_261 = tpu.memref_slice %arg6[%add3A_168, %dma_wait3A_260] : memref<34816x128xf32, #tpu.memory_space<hbm>> -> memref<128x128xf32, #tpu.memory_space<hbm>>
    %dma_wait3A_262 = arith.constant 0 : i32
    %dma_wait3A_263 = arith.constant 0 : i32
    %dma_wait3A_264 = tpu.memref_slice %arg19[%dma_wait3A_262, %dma_wait3A_263] : memref<128x128xf32, #tpu.memory_space<vmem>> -> memref<128x128xf32, #tpu.memory_space<vmem>>
    tpu.wait_dma2 semaphore(%arg27 : memref<!tpu.dma_semaphore, #tpu.memory_space<semaphore_mem>>) src(%dma_wait3A_264 : memref<128x128xf32, #tpu.memory_space<vmem>>) dst(%dma_wait3A_261 : memref<128x128xf32, #tpu.memory_space<hbm>>)
    %dma_start3A_265 = arith.constant 0 : i32
    %dma_start3A_266 = arith.constant 0 : i32
    %dma_start3A_267 = tpu.memref_slice %arg19[%dma_start3A_265, %dma_start3A_266] : memref<128x128xf32, #tpu.memory_space<vmem>> -> memref<128x128xf32, #tpu.memory_space<vmem>>
    %dma_start3A_268 = arith.constant 768 : i32
    %dma_start3A_269 = tpu.memref_slice %arg16[%dma_start3A_268] : memref<1088xi32, #tpu.memory_space<vmem>> -> memref<128xi32, #tpu.memory_space<vmem>>
    %dma_start3A_270 = arith.constant 0 : i32
    %dma_start3A_271 = arith.constant 0 : i32
    %dma_start3A_272 = tpu.memref_slice %arg2[%dma_start3A_270, %dma_start3A_271] : memref<1000000x128xf32, #tpu.memory_space<hbm>> -> memref<1000000x128xf32, #tpu.memory_space<hbm>>
    tpu.enqueue_indirect_dma source(%dma_start3A_272 : memref<1000000x128xf32, #tpu.memory_space<hbm>>) target(%dma_start3A_267 : memref<128x128xf32, #tpu.memory_space<vmem>>) offsets(%dma_start3A_269 : memref<128xi32, #tpu.memory_space<vmem>>) semaphore(%arg23 : memref<!tpu.dma_semaphore, #tpu.memory_space<semaphore_mem>>)
    %dma_wait3A_273 = arith.constant 0 : i32
    %dma_wait3A_274 = arith.constant 0 : i32
    %dma_wait3A_275 = tpu.memref_slice %arg18[%dma_wait3A_273, %dma_wait3A_274] : memref<128x128xf32, #tpu.memory_space<vmem>> -> memref<128x128xf32, #tpu.memory_space<vmem>>
    %dma_wait3A_276 = arith.constant 640 : i32
    %dma_wait3A_277 = tpu.memref_slice %arg16[%dma_wait3A_276] : memref<1088xi32, #tpu.memory_space<vmem>> -> memref<128xi32, #tpu.memory_space<vmem>>
    %dma_wait3A_278 = arith.constant 0 : i32
    %dma_wait3A_279 = arith.constant 0 : i32
    %dma_wait3A_280 = tpu.memref_slice %arg2[%dma_wait3A_278, %dma_wait3A_279] : memref<1000000x128xf32, #tpu.memory_space<hbm>> -> memref<1000000x128xf32, #tpu.memory_space<hbm>>
    tpu.wait_indirect_dma semaphore(%arg22 : memref<!tpu.dma_semaphore, #tpu.memory_space<semaphore_mem>>) src(%dma_wait3A_280 : memref<1000000x128xf32, #tpu.memory_space<hbm>>) dst(%dma_wait3A_275 : memref<128x128xf32, #tpu.memory_space<vmem>>)
    %add3A_281 = arith.constant 640 : i32
    %add3A_282 = arith.addi %mul3A_2, %add3A_281 : i32
    %dma_start3A_283 = arith.constant 0 : i32
    %dma_start3A_284 = arith.constant 0 : i32
    %dma_start3A_285 = tpu.memref_slice %arg18[%dma_start3A_283, %dma_start3A_284] : memref<128x128xf32, #tpu.memory_space<vmem>> -> memref<128x128xf32, #tpu.memory_space<vmem>>
    %dma_start3A_286 = arith.constant 0 : i32
    %dma_start3A_287 = tpu.memref_slice %arg6[%add3A_282, %dma_start3A_286] : memref<34816x128xf32, #tpu.memory_space<hbm>> -> memref<128x128xf32, #tpu.memory_space<hbm>>
    %dma_start3A_288 = arith.constant 0 : i32
    %dma_start3A_289 = tpu.memref_slice %arg6[%add3A_282, %dma_start3A_288] : memref<34816x128xf32, #tpu.memory_space<hbm>> -> memref<128x128xf32, #tpu.memory_space<hbm>>
    %dma_start3A_290 = arith.constant 0 : i32
    %dma_start3A_291 = arith.constant 0 : i32
    %dma_start3A_292 = tpu.memref_slice %arg18[%dma_start3A_290, %dma_start3A_291] : memref<128x128xf32, #tpu.memory_space<vmem>> -> memref<128x128xf32, #tpu.memory_space<vmem>>
    tpu.enqueue_dma source(%dma_start3A_292 : memref<128x128xf32, #tpu.memory_space<vmem>>) target(%dma_start3A_289 : memref<128x128xf32, #tpu.memory_space<hbm>>) target_semaphore(%arg26 : memref<!tpu.dma_semaphore, #tpu.memory_space<semaphore_mem>>)
    %dma_wait3A_293 = arith.constant 0 : i32
    %dma_wait3A_294 = arith.constant 0 : i32
    %dma_wait3A_295 = tpu.memref_slice %arg20[%dma_wait3A_293, %dma_wait3A_294] : memref<128x128xf32, #tpu.memory_space<vmem>> -> memref<128x128xf32, #tpu.memory_space<vmem>>
    %dma_wait3A_296 = arith.constant 0 : i32
    %dma_wait3A_297 = tpu.memref_slice %arg6[%add3A_206, %dma_wait3A_296] : memref<34816x128xf32, #tpu.memory_space<hbm>> -> memref<128x128xf32, #tpu.memory_space<hbm>>
    %dma_wait3A_298 = arith.constant 0 : i32
    %dma_wait3A_299 = tpu.memref_slice %arg6[%add3A_206, %dma_wait3A_298] : memref<34816x128xf32, #tpu.memory_space<hbm>> -> memref<128x128xf32, #tpu.memory_space<hbm>>
    %dma_wait3A_300 = arith.constant 0 : i32
    %dma_wait3A_301 = arith.constant 0 : i32
    %dma_wait3A_302 = tpu.memref_slice %arg20[%dma_wait3A_300, %dma_wait3A_301] : memref<128x128xf32, #tpu.memory_space<vmem>> -> memref<128x128xf32, #tpu.memory_space<vmem>>
    tpu.wait_dma2 semaphore(%arg28 : memref<!tpu.dma_semaphore, #tpu.memory_space<semaphore_mem>>) src(%dma_wait3A_302 : memref<128x128xf32, #tpu.memory_space<vmem>>) dst(%dma_wait3A_299 : memref<128x128xf32, #tpu.memory_space<hbm>>)
    %dma_start3A_303 = arith.constant 0 : i32
    %dma_start3A_304 = arith.constant 0 : i32
    %dma_start3A_305 = tpu.memref_slice %arg20[%dma_start3A_303, %dma_start3A_304] : memref<128x128xf32, #tpu.memory_space<vmem>> -> memref<128x128xf32, #tpu.memory_space<vmem>>
    %dma_start3A_306 = arith.constant 896 : i32
    %dma_start3A_307 = tpu.memref_slice %arg16[%dma_start3A_306] : memref<1088xi32, #tpu.memory_space<vmem>> -> memref<128xi32, #tpu.memory_space<vmem>>
    %dma_start3A_308 = arith.constant 0 : i32
    %dma_start3A_309 = arith.constant 0 : i32
    %dma_start3A_310 = tpu.memref_slice %arg2[%dma_start3A_308, %dma_start3A_309] : memref<1000000x128xf32, #tpu.memory_space<hbm>> -> memref<1000000x128xf32, #tpu.memory_space<hbm>>
    tpu.enqueue_indirect_dma source(%dma_start3A_310 : memref<1000000x128xf32, #tpu.memory_space<hbm>>) target(%dma_start3A_305 : memref<128x128xf32, #tpu.memory_space<vmem>>) offsets(%dma_start3A_307 : memref<128xi32, #tpu.memory_space<vmem>>) semaphore(%arg24 : memref<!tpu.dma_semaphore, #tpu.memory_space<semaphore_mem>>)
    %dma_wait3A_311 = arith.constant 0 : i32
    %dma_wait3A_312 = arith.constant 0 : i32
    %dma_wait3A_313 = tpu.memref_slice %arg19[%dma_wait3A_311, %dma_wait3A_312] : memref<128x128xf32, #tpu.memory_space<vmem>> -> memref<128x128xf32, #tpu.memory_space<vmem>>
    %dma_wait3A_314 = arith.constant 768 : i32
    %dma_wait3A_315 = tpu.memref_slice %arg16[%dma_wait3A_314] : memref<1088xi32, #tpu.memory_space<vmem>> -> memref<128xi32, #tpu.memory_space<vmem>>
    %dma_wait3A_316 = arith.constant 0 : i32
    %dma_wait3A_317 = arith.constant 0 : i32
    %dma_wait3A_318 = tpu.memref_slice %arg2[%dma_wait3A_316, %dma_wait3A_317] : memref<1000000x128xf32, #tpu.memory_space<hbm>> -> memref<1000000x128xf32, #tpu.memory_space<hbm>>
    tpu.wait_indirect_dma semaphore(%arg23 : memref<!tpu.dma_semaphore, #tpu.memory_space<semaphore_mem>>) src(%dma_wait3A_318 : memref<1000000x128xf32, #tpu.memory_space<hbm>>) dst(%dma_wait3A_313 : memref<128x128xf32, #tpu.memory_space<vmem>>)
    %add3A_319 = arith.constant 768 : i32
    %add3A_320 = arith.addi %mul3A_2, %add3A_319 : i32
    %dma_start3A_321 = arith.constant 0 : i32
    %dma_start3A_322 = arith.constant 0 : i32
    %dma_start3A_323 = tpu.memref_slice %arg19[%dma_start3A_321, %dma_start3A_322] : memref<128x128xf32, #tpu.memory_space<vmem>> -> memref<128x128xf32, #tpu.memory_space<vmem>>
    %dma_start3A_324 = arith.constant 0 : i32
    %dma_start3A_325 = tpu.memref_slice %arg6[%add3A_320, %dma_start3A_324] : memref<34816x128xf32, #tpu.memory_space<hbm>> -> memref<128x128xf32, #tpu.memory_space<hbm>>
    %dma_start3A_326 = arith.constant 0 : i32
    %dma_start3A_327 = tpu.memref_slice %arg6[%add3A_320, %dma_start3A_326] : memref<34816x128xf32, #tpu.memory_space<hbm>> -> memref<128x128xf32, #tpu.memory_space<hbm>>
    %dma_start3A_328 = arith.constant 0 : i32
    %dma_start3A_329 = arith.constant 0 : i32
    %dma_start3A_330 = tpu.memref_slice %arg19[%dma_start3A_328, %dma_start3A_329] : memref<128x128xf32, #tpu.memory_space<vmem>> -> memref<128x128xf32, #tpu.memory_space<vmem>>
    tpu.enqueue_dma source(%dma_start3A_330 : memref<128x128xf32, #tpu.memory_space<vmem>>) target(%dma_start3A_327 : memref<128x128xf32, #tpu.memory_space<hbm>>) target_semaphore(%arg27 : memref<!tpu.dma_semaphore, #tpu.memory_space<semaphore_mem>>)
    %dma_wait3A_331 = arith.constant 0 : i32
    %dma_wait3A_332 = arith.constant 0 : i32
    %dma_wait3A_333 = tpu.memref_slice %arg17[%dma_wait3A_331, %dma_wait3A_332] : memref<128x128xf32, #tpu.memory_space<vmem>> -> memref<128x128xf32, #tpu.memory_space<vmem>>
    %dma_wait3A_334 = arith.constant 0 : i32
    %dma_wait3A_335 = tpu.memref_slice %arg6[%add3A_244, %dma_wait3A_334] : memref<34816x128xf32, #tpu.memory_space<hbm>> -> memref<128x128xf32, #tpu.memory_space<hbm>>
    %dma_wait3A_336 = arith.constant 0 : i32
    %dma_wait3A_337 = tpu.memref_slice %arg6[%add3A_244, %dma_wait3A_336] : memref<34816x128xf32, #tpu.memory_space<hbm>> -> memref<128x128xf32, #tpu.memory_space<hbm>>
    %dma_wait3A_338 = arith.constant 0 : i32
    %dma_wait3A_339 = arith.constant 0 : i32
    %dma_wait3A_340 = tpu.memref_slice %arg17[%dma_wait3A_338, %dma_wait3A_339] : memref<128x128xf32, #tpu.memory_space<vmem>> -> memref<128x128xf32, #tpu.memory_space<vmem>>
    tpu.wait_dma2 semaphore(%arg25 : memref<!tpu.dma_semaphore, #tpu.memory_space<semaphore_mem>>) src(%dma_wait3A_340 : memref<128x128xf32, #tpu.memory_space<vmem>>) dst(%dma_wait3A_337 : memref<128x128xf32, #tpu.memory_space<hbm>>)
    %dma_start3A_341 = arith.constant 0 : i32
    %dma_start3A_342 = arith.constant 0 : i32
    %dma_start3A_343 = tpu.memref_slice %arg17[%dma_start3A_341, %dma_start3A_342] : memref<128x128xf32, #tpu.memory_space<vmem>> -> memref<64x128xf32, #tpu.memory_space<vmem>>
    %dma_start3A_344 = arith.constant 1024 : i32
    %dma_start3A_345 = tpu.memref_slice %arg16[%dma_start3A_344] : memref<1088xi32, #tpu.memory_space<vmem>> -> memref<64xi32, #tpu.memory_space<vmem>>
    %dma_start3A_346 = arith.constant 0 : i32
    %dma_start3A_347 = arith.constant 0 : i32
    %dma_start3A_348 = tpu.memref_slice %arg2[%dma_start3A_346, %dma_start3A_347] : memref<1000000x128xf32, #tpu.memory_space<hbm>> -> memref<1000000x128xf32, #tpu.memory_space<hbm>>
    tpu.enqueue_indirect_dma source(%dma_start3A_348 : memref<1000000x128xf32, #tpu.memory_space<hbm>>) target(%dma_start3A_343 : memref<64x128xf32, #tpu.memory_space<vmem>>) offsets(%dma_start3A_345 : memref<64xi32, #tpu.memory_space<vmem>>) semaphore(%arg21 : memref<!tpu.dma_semaphore, #tpu.memory_space<semaphore_mem>>)
    %dma_wait3A_349 = arith.constant 0 : i32
    %dma_wait3A_350 = arith.constant 0 : i32
    %dma_wait3A_351 = tpu.memref_slice %arg20[%dma_wait3A_349, %dma_wait3A_350] : memref<128x128xf32, #tpu.memory_space<vmem>> -> memref<128x128xf32, #tpu.memory_space<vmem>>
    %dma_wait3A_352 = arith.constant 896 : i32
    %dma_wait3A_353 = tpu.memref_slice %arg16[%dma_wait3A_352] : memref<1088xi32, #tpu.memory_space<vmem>> -> memref<128xi32, #tpu.memory_space<vmem>>
    %dma_wait3A_354 = arith.constant 0 : i32
    %dma_wait3A_355 = arith.constant 0 : i32
    %dma_wait3A_356 = tpu.memref_slice %arg2[%dma_wait3A_354, %dma_wait3A_355] : memref<1000000x128xf32, #tpu.memory_space<hbm>> -> memref<1000000x128xf32, #tpu.memory_space<hbm>>
    tpu.wait_indirect_dma semaphore(%arg24 : memref<!tpu.dma_semaphore, #tpu.memory_space<semaphore_mem>>) src(%dma_wait3A_356 : memref<1000000x128xf32, #tpu.memory_space<hbm>>) dst(%dma_wait3A_351 : memref<128x128xf32, #tpu.memory_space<vmem>>)
    %add3A_357 = arith.constant 896 : i32
    %add3A_358 = arith.addi %mul3A_2, %add3A_357 : i32
    %dma_start3A_359 = arith.constant 0 : i32
    %dma_start3A_360 = arith.constant 0 : i32
    %dma_start3A_361 = tpu.memref_slice %arg20[%dma_start3A_359, %dma_start3A_360] : memref<128x128xf32, #tpu.memory_space<vmem>> -> memref<128x128xf32, #tpu.memory_space<vmem>>
    %dma_start3A_362 = arith.constant 0 : i32
    %dma_start3A_363 = tpu.memref_slice %arg6[%add3A_358, %dma_start3A_362] : memref<34816x128xf32, #tpu.memory_space<hbm>> -> memref<128x128xf32, #tpu.memory_space<hbm>>
    %dma_start3A_364 = arith.constant 0 : i32
    %dma_start3A_365 = tpu.memref_slice %arg6[%add3A_358, %dma_start3A_364] : memref<34816x128xf32, #tpu.memory_space<hbm>> -> memref<128x128xf32, #tpu.memory_space<hbm>>
    %dma_start3A_366 = arith.constant 0 : i32
    %dma_start3A_367 = arith.constant 0 : i32
    %dma_start3A_368 = tpu.memref_slice %arg20[%dma_start3A_366, %dma_start3A_367] : memref<128x128xf32, #tpu.memory_space<vmem>> -> memref<128x128xf32, #tpu.memory_space<vmem>>
    tpu.enqueue_dma source(%dma_start3A_368 : memref<128x128xf32, #tpu.memory_space<vmem>>) target(%dma_start3A_365 : memref<128x128xf32, #tpu.memory_space<hbm>>) target_semaphore(%arg28 : memref<!tpu.dma_semaphore, #tpu.memory_space<semaphore_mem>>)
    %dma_wait3A_369 = arith.constant 0 : i32
    %dma_wait3A_370 = arith.constant 0 : i32
    %dma_wait3A_371 = tpu.memref_slice %arg17[%dma_wait3A_369, %dma_wait3A_370] : memref<128x128xf32, #tpu.memory_space<vmem>> -> memref<64x128xf32, #tpu.memory_space<vmem>>
    %dma_wait3A_372 = arith.constant 1024 : i32
    %dma_wait3A_373 = tpu.memref_slice %arg16[%dma_wait3A_372] : memref<1088xi32, #tpu.memory_space<vmem>> -> memref<64xi32, #tpu.memory_space<vmem>>
    %dma_wait3A_374 = arith.constant 0 : i32
    %dma_wait3A_375 = arith.constant 0 : i32
    %dma_wait3A_376 = tpu.memref_slice %arg2[%dma_wait3A_374, %dma_wait3A_375] : memref<1000000x128xf32, #tpu.memory_space<hbm>> -> memref<1000000x128xf32, #tpu.memory_space<hbm>>
    tpu.wait_indirect_dma semaphore(%arg21 : memref<!tpu.dma_semaphore, #tpu.memory_space<semaphore_mem>>) src(%dma_wait3A_376 : memref<1000000x128xf32, #tpu.memory_space<hbm>>) dst(%dma_wait3A_371 : memref<64x128xf32, #tpu.memory_space<vmem>>)
    %add3A_377 = arith.constant 1024 : i32
    %add3A_378 = arith.addi %mul3A_2, %add3A_377 : i32
    %dma_start3A_379 = arith.constant 0 : i32
    %dma_start3A_380 = arith.constant 0 : i32
    %dma_start3A_381 = tpu.memref_slice %arg17[%dma_start3A_379, %dma_start3A_380] : memref<128x128xf32, #tpu.memory_space<vmem>> -> memref<64x128xf32, #tpu.memory_space<vmem>>
    %dma_start3A_382 = arith.constant 0 : i32
    %dma_start3A_383 = tpu.memref_slice %arg6[%add3A_378, %dma_start3A_382] : memref<34816x128xf32, #tpu.memory_space<hbm>> -> memref<64x128xf32, #tpu.memory_space<hbm>>
    %dma_start3A_384 = arith.constant 0 : i32
    %dma_start3A_385 = tpu.memref_slice %arg6[%add3A_378, %dma_start3A_384] : memref<34816x128xf32, #tpu.memory_space<hbm>> -> memref<64x128xf32, #tpu.memory_space<hbm>>
    %dma_start3A_386 = arith.constant 0 : i32
    %dma_start3A_387 = arith.constant 0 : i32
    %dma_start3A_388 = tpu.memref_slice %arg17[%dma_start3A_386, %dma_start3A_387] : memref<128x128xf32, #tpu.memory_space<vmem>> -> memref<64x128xf32, #tpu.memory_space<vmem>>
    tpu.enqueue_dma source(%dma_start3A_388 : memref<64x128xf32, #tpu.memory_space<vmem>>) target(%dma_start3A_385 : memref<64x128xf32, #tpu.memory_space<hbm>>) target_semaphore(%arg25 : memref<!tpu.dma_semaphore, #tpu.memory_space<semaphore_mem>>)
    %dma_wait3A_389 = arith.constant 0 : i32
    %dma_wait3A_390 = arith.constant 0 : i32
    %dma_wait3A_391 = tpu.memref_slice %arg18[%dma_wait3A_389, %dma_wait3A_390] : memref<128x128xf32, #tpu.memory_space<vmem>> -> memref<128x128xf32, #tpu.memory_space<vmem>>
    %dma_wait3A_392 = arith.constant 0 : i32
    %dma_wait3A_393 = tpu.memref_slice %arg6[%add3A_282, %dma_wait3A_392] : memref<34816x128xf32, #tpu.memory_space<hbm>> -> memref<128x128xf32, #tpu.memory_space<hbm>>
    %dma_wait3A_394 = arith.constant 0 : i32
    %dma_wait3A_395 = tpu.memref_slice %arg6[%add3A_282, %dma_wait3A_394] : memref<34816x128xf32, #tpu.memory_space<hbm>> -> memref<128x128xf32, #tpu.memory_space<hbm>>
    %dma_wait3A_396 = arith.constant 0 : i32
    %dma_wait3A_397 = arith.constant 0 : i32
    %dma_wait3A_398 = tpu.memref_slice %arg18[%dma_wait3A_396, %dma_wait3A_397] : memref<128x128xf32, #tpu.memory_space<vmem>> -> memref<128x128xf32, #tpu.memory_space<vmem>>
    tpu.wait_dma2 semaphore(%arg26 : memref<!tpu.dma_semaphore, #tpu.memory_space<semaphore_mem>>) src(%dma_wait3A_398 : memref<128x128xf32, #tpu.memory_space<vmem>>) dst(%dma_wait3A_395 : memref<128x128xf32, #tpu.memory_space<hbm>>)
    %dma_wait3A_399 = arith.constant 0 : i32
    %dma_wait3A_400 = arith.constant 0 : i32
    %dma_wait3A_401 = tpu.memref_slice %arg19[%dma_wait3A_399, %dma_wait3A_400] : memref<128x128xf32, #tpu.memory_space<vmem>> -> memref<128x128xf32, #tpu.memory_space<vmem>>
    %dma_wait3A_402 = arith.constant 0 : i32
    %dma_wait3A_403 = tpu.memref_slice %arg6[%add3A_320, %dma_wait3A_402] : memref<34816x128xf32, #tpu.memory_space<hbm>> -> memref<128x128xf32, #tpu.memory_space<hbm>>
    %dma_wait3A_404 = arith.constant 0 : i32
    %dma_wait3A_405 = tpu.memref_slice %arg6[%add3A_320, %dma_wait3A_404] : memref<34816x128xf32, #tpu.memory_space<hbm>> -> memref<128x128xf32, #tpu.memory_space<hbm>>
    %dma_wait3A_406 = arith.constant 0 : i32
    %dma_wait3A_407 = arith.constant 0 : i32
    %dma_wait3A_408 = tpu.memref_slice %arg19[%dma_wait3A_406, %dma_wait3A_407] : memref<128x128xf32, #tpu.memory_space<vmem>> -> memref<128x128xf32, #tpu.memory_space<vmem>>
    tpu.wait_dma2 semaphore(%arg27 : memref<!tpu.dma_semaphore, #tpu.memory_space<semaphore_mem>>) src(%dma_wait3A_408 : memref<128x128xf32, #tpu.memory_space<vmem>>) dst(%dma_wait3A_405 : memref<128x128xf32, #tpu.memory_space<hbm>>)
    %dma_wait3A_409 = arith.constant 0 : i32
    %dma_wait3A_410 = arith.constant 0 : i32
    %dma_wait3A_411 = tpu.memref_slice %arg20[%dma_wait3A_409, %dma_wait3A_410] : memref<128x128xf32, #tpu.memory_space<vmem>> -> memref<128x128xf32, #tpu.memory_space<vmem>>
    %dma_wait3A_412 = arith.constant 0 : i32
    %dma_wait3A_413 = tpu.memref_slice %arg6[%add3A_358, %dma_wait3A_412] : memref<34816x128xf32, #tpu.memory_space<hbm>> -> memref<128x128xf32, #tpu.memory_space<hbm>>
    %dma_wait3A_414 = arith.constant 0 : i32
    %dma_wait3A_415 = tpu.memref_slice %arg6[%add3A_358, %dma_wait3A_414] : memref<34816x128xf32, #tpu.memory_space<hbm>> -> memref<128x128xf32, #tpu.memory_space<hbm>>
    %dma_wait3A_416 = arith.constant 0 : i32
    %dma_wait3A_417 = arith.constant 0 : i32
    %dma_wait3A_418 = tpu.memref_slice %arg20[%dma_wait3A_416, %dma_wait3A_417] : memref<128x128xf32, #tpu.memory_space<vmem>> -> memref<128x128xf32, #tpu.memory_space<vmem>>
    tpu.wait_dma2 semaphore(%arg28 : memref<!tpu.dma_semaphore, #tpu.memory_space<semaphore_mem>>) src(%dma_wait3A_418 : memref<128x128xf32, #tpu.memory_space<vmem>>) dst(%dma_wait3A_415 : memref<128x128xf32, #tpu.memory_space<hbm>>)
    %dma_wait3A_419 = arith.constant 0 : i32
    %dma_wait3A_420 = arith.constant 0 : i32
    %dma_wait3A_421 = tpu.memref_slice %arg17[%dma_wait3A_419, %dma_wait3A_420] : memref<128x128xf32, #tpu.memory_space<vmem>> -> memref<64x128xf32, #tpu.memory_space<vmem>>
    %dma_wait3A_422 = arith.constant 0 : i32
    %dma_wait3A_423 = tpu.memref_slice %arg6[%add3A_378, %dma_wait3A_422] : memref<34816x128xf32, #tpu.memory_space<hbm>> -> memref<64x128xf32, #tpu.memory_space<hbm>>
    %dma_wait3A_424 = arith.constant 0 : i32
    %dma_wait3A_425 = tpu.memref_slice %arg6[%add3A_378, %dma_wait3A_424] : memref<34816x128xf32, #tpu.memory_space<hbm>> -> memref<64x128xf32, #tpu.memory_space<hbm>>
    %dma_wait3A_426 = arith.constant 0 : i32
    %dma_wait3A_427 = arith.constant 0 : i32
    %dma_wait3A_428 = tpu.memref_slice %arg17[%dma_wait3A_426, %dma_wait3A_427] : memref<128x128xf32, #tpu.memory_space<vmem>> -> memref<64x128xf32, #tpu.memory_space<vmem>>
    tpu.wait_dma2 semaphore(%arg25 : memref<!tpu.dma_semaphore, #tpu.memory_space<semaphore_mem>>) src(%dma_wait3A_428 : memref<64x128xf32, #tpu.memory_space<vmem>>) dst(%dma_wait3A_425 : memref<64x128xf32, #tpu.memory_space<hbm>>)
    return
  }
}

</mosaic_0001>

<sc_bundles>
// kernel: kernel.3.cloned.1.call-start
scs
__scs_entry_jumppad:
0x0: {  	(pc) =	sbr.rel $0x88, $3  }
0x1: {  	(tag) =	ssettag $0x0;
	lr =	simm.s32 $0x1  }
0x2: {  	[smem:$0x3F9C] =	sst lr;
	_ =	strace $0xD0000000  }
0x3: {  	_ = 	snop  }
0x4: {  	_ = 	snop  }
0x5: {  	_ = 	snop  }
0x6: {  	_ = 	snop  }
0x7: {  	_ = 	snop  }
__scs_overlays_trampoline_lowered:
0x8: {  	[smem:$0x3FAB] =	sst s0  }
0x9: {  	[smem:$0x3FAC] =	sst s1  }
0xa: {  	[smem:$0x3FAD] =	sst s2  }
0xb: {  	[smem:$0x3FAE] =	sst s3  }
0xc: {  	[smem:$0x3FAF] =	sst s4  }
0xd: {  	[smem:$0x3FB0] =	sst s5  }
0xe: {  	[smem:$0x3FB1] =	sst s6  }
0xf: {  	[smem:$0x3FB2] =	sst s7  }
0x10: {  	[smem:$0x3FB3] =	sst s8  }
0x11: {  	[smem:$0x3FB4] =	sst s9;
	s0 =	simm.s32 @!p0 $0x0  }
0x12: {  	s1 =	sld [smem:$0x3F9A];
	s0 =	simm.s32 @p0 $0x1  }
0x13: {  	[smem:$0x3FB5] =	sst s0;
	s0 =	simm.s32 @!p1 $0x0  }
0x14: {  	s2 =	sld [smem:$0x3F99];
	s0 =	simm.s32 @p1 $0x1  }
0x15: {  	[smem:$0x3FB6] =	sst s0;
	s0 =	simm.s32 @!p2 $0x0  }
0x16: {  	s3 =	sld [smem:$0x3FDB];
	s0 =	simm.s32 @p2 $0x1  }
0x17: {  	s4 =	simm.s32 $0x1BF5;
	[smem:$0x3FB8] =	sst s0  }
0x18: {  	s0 =	sld [smem:$0x3F9B];
	_ =	swait.ge [sflag:s4], $0x0  }
0x19: {  	s7 =	sld [smem:$0x3F9C]  }
0x1a: {  	s8 =	sadd.s32 $0xFFFFE003, lr  }
0x1b: {  	s9 =	sadd.s32 $0xFFFFFEF7, lr;
	s5 =	simm.s32 $0xFFFFFFFF;
	p2 =	slt.u32 s8, $0xFFFFF086  }
0x1c: {  	p1 =	slt.u32 s9, $0xF7A;
	s5 =	simm.s32 @!p2 $0x0  }
0x1d: {  	s5 =	simm.s32 @p1 $0x1;
	p0 =	seq.s32 s7, s2  }
0x1e: {  	s7 =	smul.u32 @!p0 $0xF7A, s2;
	p2 =	seq.s32 @!p0 s5, $0x0  }
0x1f: {  	s9 =	smul.u32 $0xF7A, s1;
	s8 =	simm.s32 @!p0 $0x1BF5;
	p2 =	por !p2, p0  }
0x20: {  	[sflag:s8] =	ssyncset.s32 @!p0 $0xFFFFF086;
	s6 =	sadd.s32 @!p0 s3, s7;
	s7 =	simm.s32 @!p0 $0x108  }
0x21: {  	s3 =	sadd.s32 s3, s9;
	s6 =	sadd.s32 @!p0 $0x88, s6;
	s7 =	simm.s32 @p2 $0x1082  }
0x22: {  	[simem:s7], [sflag:s8] =	dma.local @!p0 [hbm:s6], $0xF7A  }
0x23: {  	s9 =	sor.u32 $0xD0000000, s2;
	s6 =	simm.s32 $0x108;
	_ =	swait.ge @!p0 [sflag:s8], $0x0  }
0x24: {  	s3 =	sadd.s32 $0x88, s3;
	s6 =	simm.s32 @!p1 $0x1082;
	[sflag:s4] =	ssyncset.s32 $0xFFFFF086  }
0x25: {  	[simem:s6], [sflag:s4] =	dma.local [hbm:s3], $0xF7A  }
0x26: {  	[smem:$0x3F9C] =	sst s1;
	(tag) =	ssettag s2;
	_ =	strace s9  }
0x27: {  	s1 =	sld [smem:$0x3FAC]  }
0x28: {  	s2 =	sld [smem:$0x3FAD]  }
0x29: {  	s4 =	sld [smem:$0x3FAF]  }
0x2a: {  	p0 =	seq.s32 s5, $0x0;
	s5 =	sld [smem:$0x3FB0]  }
0x2b: {  	s6 =	sld [smem:$0x3FB1]  }
0x2c: {  	s7 =	sld [smem:$0x3FB2]  }
0x2d: {  	s3 =	simm.s32 $0x108;
	s8 =	sld [smem:$0x3FB3]  }
0x2e: {  	s3 =	simm.s32 @!p0 $0x1082;
	s9 =	sld [smem:$0x3FB4]  }
0x2f: {  	lr =	sadd.s32 s0, s3;
	s0 =	sld [smem:$0x3FAB]  }
0x30: {  	s3 =	sld [smem:$0x3FAE]  }
0x31: {  	[smem:$0x3FB7] =	sst s10  }
0x32: {  	s10 =	sld [smem:$0x3FB5];
	_ =	sdelay $0x3  }
0x33: {  	p0 =	seq.s32 s10, $0x1;
	s10 =	sld [smem:$0x3FB7];
	_ =	sdelay $0x3  }
0x34: {  	[smem:$0x3FB7] =	sst s10  }
0x35: {  	s10 =	sld [smem:$0x3FB6];
	_ =	sdelay $0x3  }
0x36: {  	p1 =	seq.s32 s10, $0x1;
	s10 =	sld [smem:$0x3FB7];
	_ =	sdelay $0x3  }
0x37: {  	[smem:$0x3FB7] =	sst s10  }
0x38: {  	s10 =	sld [smem:$0x3FB8]  }
0x39: {  	_ = 	snop;
	(pc) =	sbr.ind lr, $3  }
0x3a: {  	_ = 	snop  }
0x3b: {  	_ = 	snop  }
0x3c: {  	p2 =	seq.s32 s10, $0x1;
	s10 =	sld [smem:$0x3FB7]  }
0x3d: {  	_ =	shalt  }
0x3e: {  	_ =	shalt  }
0x3f: {  	_ =	shalt  }
0x40: {  	_ =	shalt  }
0x41: {  	_ =	shalt  }
0x42: {  	_ =	shalt  }
0x43: {  	_ =	shalt  }
0x44: {  	_ =	shalt  }
0x45: {  	_ =	shalt  }
0x46: {  	_ =	shalt  }
0x47: {  	_ =	shalt  }
0x48: {  	_ =	shalt  }
0x49: {  	_ =	shalt  }
0x4a: {  	_ =	shalt  }
0x4b: {  	_ =	shalt  }
0x4c: {  	_ =	shalt  }
0x4d: {  	_ =	shalt  }
0x4e: {  	_ =	shalt  }
0x4f: {  	_ =	shalt  }
0x50: {  	_ =	shalt  }
0x51: {  	_ =	shalt  }
0x52: {  	_ =	shalt  }
0x53: {  	_ =	shalt  }
0x54: {  	_ =	shalt  }
0x55: {  	_ =	shalt  }
0x56: {  	_ =	shalt  }
0x57: {  	_ =	shalt  }
0x58: {  	_ =	shalt  }
0x59: {  	_ =	shalt  }
0x5a: {  	_ =	shalt  }
0x5b: {  	_ =	shalt  }
0x5c: {  	_ =	shalt  }
0x5d: {  	_ =	shalt  }
0x5e: {  	_ =	shalt  }
0x5f: {  	_ =	shalt  }
0x60: {  	_ =	shalt  }
0x61: {  	_ =	shalt  }
0x62: {  	_ =	shalt  }
0x63: {  	_ =	shalt  }
0x64: {  	_ =	shalt  }
0x65: {  	_ =	shalt  }
0x66: {  	_ =	shalt  }
0x67: {  	_ =	shalt  }
0x68: {  	_ =	shalt  }
0x69: {  	_ =	shalt  }
0x6a: {  	_ =	shalt  }
0x6b: {  	_ =	shalt  }
0x6c: {  	_ =	shalt  }
0x6d: {  	_ =	shalt  }
0x6e: {  	_ =	shalt  }
0x6f: {  	_ =	shalt  }
0x70: {  	_ =	shalt  }
0x71: {  	_ =	shalt  }
0x72: {  	_ =	shalt  }
0x73: {  	_ =	shalt  }
0x74: {  	_ =	shalt  }
0x75: {  	_ =	shalt  }
0x76: {  	_ =	shalt  }
0x77: {  	_ =	shalt  }
0x78: {  	_ =	shalt  }
0x79: {  	_ =	shalt  }
0x7a: {  	_ =	shalt  }
0x7b: {  	_ =	shalt  }
0x7c: {  	_ =	shalt  }
0x7d: {  	_ =	shalt  }
0x7e: {  	_ =	shalt  }
0x7f: {  	_ =	shalt  }
0x80: {  	_ =	shalt  }
0x81: {  	_ =	shalt  }
0x82: {  	_ =	shalt  }
0x83: {  	_ =	shalt  }
0x84: {  	_ =	shalt  }
0x85: {  	_ =	shalt  }
0x86: {  	_ =	shalt  }
0x87: {  	_ =	shalt  }
.Lfunc_end0:
.L_simem_size_0:
called_computation_lowered:
.L_overlay_start_0:
0x88: {  	s2 =	sld [smem:$0x3FD9]  }
0x89: {  	s3 =	sld [smem:$0x3FFE];
	_ =	sdelay $0x1  }
0x8a: {  	s1 =	srdreg.scid  }
0x8b: {  	s0 =	sand.u32 $0x1, s1  }
0x8c: {  	s15 =	sshll.u32 s0, $0xA;
	s2 =	sadd.s32 s3, s2  }
0x8d: {  	s2 =	sadd.s32 s2, s15  }
0x8e: {  	[smem:$0x3FC3] =	sst s2  }
0x8f: {  	_ = 	snop  }
0x90: {  	s2 =	sld [smem:$0x3FC9]  }
0x91: {  	s16 =	sld [smem:$0x3FD0]  }
0x92: {  	s4 =	sld [smem:$0x3FC8]  }
0x93: {  	s5 =	sld [smem:$0x3FC7]  }
0x94: {  	s7 =	simm.s32 $0xA;
	s8 =	simm.s32 $0x10;
	s6 =	sld [smem:$0x3FC5]  }
0x95: {  	[smem:s8], [sflag:s7] =	dma.local [hbm:s16], $0x1  }
0x96: {  	_ =	swait.eq [sflag:s7], $0x1  }
0x97: {  	s17 =	sld [smem:$0x10]  }
0x98: {  	s18 =	sld [smem:$0x11];
	[sflag:s7] =	ssyncset.done $0x0  }
0x99: {  	s9 =	sld [smem:$0x13];
	[sflag:s7] =	ssyncadd.s32 $0xFFFFFFFF  }
0x9a: {  	s19 =	sld [smem:$0x14];
	(tm) =	ssettm $0x1  }
0x9b: {  	s10 =	sld [smem:$0x3FFB];
	_ =	sdelay $0x3  }
0x9c: {  	_ =	strace s10  }
0x9d: {  	s10 =	sld [smem:$0x3FFC];
	_ =	sdelay $0x3  }
0x9e: {  	_ =	strace s10  }
0x9f: {  	s10 =	sld [smem:$0x3FFD];
	_ =	sdelay $0x3  }
0xa0: {  	_ =	strace s10  }
0xa1: {  	_ =	strace $0x8FFFFFFF  }
0xa2: {  	s20 =	sld [smem:$0x3FDB];
	_ =	sdelay $0x1  }
0xa3: {  	s11 =	simm.s32 $_scs_section_size  }
0xa4: {  	s12 =	simm.s32 $_size__tile_overlayer_lowered;
	s13 =	simm.s32 $_tile_overlayer_lowered  }
0xa5: {  	s23 =	simm.s32 $0x1BFF;
	s22 =	sshll.u32 s13, $0x1;
	s10 =	sadd.s32 s11, s20  }
0xa6: {  	s14 =	simm.s32 $0x0;
	s21 =	sshll.u32 s12, $0x1;
	s12 =	sadd.s32 s22, s10  }
0xa7: {  	[timem:s14], [sflag:s23] =	dma.local [hbm:s12], s21  }
0xa8: {  	_ =	swait.ge [sflag:s23], s21  }
0xa9: {  	s11 =	ssub.s32 $0x0, s21;
	[sflag:s23] =	ssyncset.done $0x0  }
0xaa: {  	[sflag:s23] =	ssyncadd.s32 s11;
	_ =	sdelay $0x1  }
0xab: {  	s24 =	simm.s32 $0x1B8B  }
0xac: {  	_ =	swait.ge [sflag:s24], $0x1  }
0xad: {  	[sflag:s24] =	ssyncset.done $0x0  }
0xae: {  	s25 =	simm.s32 $0x1B8E;
	[sflag:s24] =	ssyncadd.s32 $0xFFFFFFFF  }
0xaf: {  	s26 =	simm.s32 $execute0_lowered;
	[smem:$0x3FD2] =	sst s25  }
0xb0: {  	s11 =	sshll.u32 s26, $0x1;
	_ =	strace $0x80000046;
	[dreg:$0x1] =	wrdreg $0xFFFFFFFF  }
0xb1: {  	s28 =	simm.s32 $_size_execute0_lowered;
	s10 =	sadd.s32 s10, s11;
	[dreg:$0x0] =	wrdreg $0x0  }
0xb2: {  	s11 =	sshll.u32 s28, $0x1;
	[dreg:$0x2] =	wrdreg s10  }
0xb3: {  	[dreg:$0x3] =	wrdreg s11  }
0xb4: {  	[dreg:$0x4] =	wrdreg $0xC0  }
0xb5: {  	_ =	task [dreg:s14], $0x5FFFF  }
0xb6: {  	[dreg:$0x1] =	wrdreg $0xFFFFFFFF  }
0xb7: {  	[dreg:$0x0] =	wrdreg $0x60  }
0xb8: {  	[dreg:$0x2] =	wrdreg s6  }
0xb9: {  	[dreg:$0x3] =	wrdreg s2  }
0xba: {  	[dreg:$0x4] =	wrdreg s5  }
0xbb: {  	[dreg:$0x5] =	wrdreg s4  }
0xbc: {  	[dreg:$0x6] =	wrdreg s17  }
0xbd: {  	[dreg:$0x7] =	wrdreg s18  }
0xbe: {  	[dreg:$0x8] =	wrdreg s9  }
0xbf: {  	[dreg:$0x9] =	wrdreg s19  }
0xc0: {  	[dreg:$0xa] =	wrdreg $0x9  }
0xc1: {  	_ =	task.clear_ibuf [dreg:s14], $0xBFFFF;
	_ =	strace $0x90000046  }
0xc2: {  	s29 =	simm.s32 $0x9;
	_ =	strace $0x80000048  }
0xc3: {  	_ =	swait.ge [sflag:s29], $0x1  }
0xc4: {  	[sflag:s29] =	ssyncadd.s32 $0xFFFFFFFF  }
0xc5: {  	_ =	strace $0x90000048  }
0xc6: {  	_ =	sfence  }
0xc7: {  	s30 =	sld [smem:$0x0];
	_ =	sdelay $0x2  }
0xc8: {  	s31 =	sshll.u32 s1, $0xD;
	s1 =	sshrl.u32 s1, $0x2  }
0xc9: {  	s3 =	sand.u32 $0x4000, s31;
	s1 =	sadd.s32 s1, s30  }
0xca: {  	s0 =	sor.u32 s3, s0;
	s1 =	sshll.u32 s1, $0x11  }
0xcb: {  	s0 =	sor.u32 s1, s0  }
0xcc: {  	s0 =	sadd.s32 $0x8F2B, s0  }
0xcd: {  	[sflag:s0] =	ssyncadd.remote.s32 $0x1  }
0xce: {  	_ =	sfence.sel $0xFFFF  }
0xcf: {  	[dreg:$0x0] =	wrdreg $0xFFFFFFFF;
	(pc) =	sbr.abs _section_cstart, $3  }
0xd0: {  	[dreg:$0x1] =	wrdreg $0xFFFFFFFF  }
0xd1: {  	_ =	task.clear_ibuf [dreg:s14], $0x2FFFF;
	_ =	strace $0x9FFFFFFF  }
0xd2: {  	(tm) =	ssettm $0x7FFFFFFF  }
0xd3: {  	_ =	shalt  }
tec
execute0_lowered:
.L_overlay_start_1:
0x0: {  	(tag) =	ssettag $0x1  }
0x1: {  	s0 =	rddreg [dreg:$0x0]  }
0x2: {  	s1 =	rddreg [dreg:$0x1]  }
0x3: {  	s2 =	rddreg [dreg:$0x4]  }
0x4: {  	s3 =	srdreg.scid;
	s10 =	stileid.u32  }
0x5: {  	s8 =	simm.s32 $0x0;
	s28 =	simm.s32 $0x9;
	s29 =	simm.s32 $0x1500  }
0x6: {  	s30 =	simm.s32 $0x80;
	s31 =	simm.s32 $0x5;
	s11 =	simm.s32 $0x7  }
0x7: {  	s12 =	simm.s32 $0x8;
	s3 =	sand.u32 $0x1, s3;
	s4 =	sshll.u32 s10, $0x1  }
0x8: {  	s13 =	simm.s32 $0x0;
	s21 =	smul.u32 $0x880, s10;
	s4 =	sor.u32 s3, s4  }
0x9: {  	[smem:$0x7FF] =	sst s8;
	s10 =	simm.s32 $0x6;
	s6 =	smul.u32 $0x22000, s4  }
0xa: {  	_ =	strace $0x80000047;
	s7 =	ssub.s32 $0x2, s3;
	s23 =	smul.u32 $0x440, s3  }
0xb: {  	s3 =	simm.s32 $0x1;
	s5 =	smul.u32 $0x440, s4;
	s6 =	sshrl.u32 s6, $0x3  }
0xc: {  	s9 =	sshrl.u32 s7, $0x1;
	s17 =	smul.u32 $0x4400, s4;
	s6 =	sadd.s32 s2, s6  }
0xd: {  	p0 =	sne.s32 s4, $0x0;
	s4 =	simm.s32 $0x3;
	s18 =	sadd.s32 $0x800, s6  }
0xe: {  	s7 =	ssub.s32 s7, s9;
	s19 =	sadd.s32 $0x1000, s6;
	[dreg:$0xa] =	wrdreg s18  }
0xf: {  	v0 =	vimm.s32 $0xEEDCBA98;
	s9 =	simm.s32 $0x4;
	s20 =	sadd.s32 $0x1800, s6;
	[dreg:$0xb] =	wrdreg s19  }
0x10: {  	v1 =	vimm.s32 $0x76543210;
	v5 =	vimm.s32 $0x11;
	v6 =	vimm.s32 $0x12;
	s5 =	smax.u32 s5, $0x800;
	s22 =	sadd.s32 $0x2000, s6;
	[dreg:$0xc] =	wrdreg s20  }
0x11: {  	v7 =	vimm.s32 $0x13;
	v8 =	vimm.s32 $0x14;
	v9 =	vimm.s32 $0x15;
	s5 =	smin.u32 s5, $0x7B80;
	s24 =	sadd.s32 $0x2800, s6;
	[dreg:$0xe] =	wrdreg s22  }
0x12: {  	v10 =	vimm.s32 $0x16;
	v0 =	vunpack.c.l.s4.s8 v0;
	v1 =	vunpack.c.l.s4.s8 v1;
	s5 =	sadd.s32 $0xFFFFF800, s5;
	s25 =	sadd.s32 $0x3000, s6;
	[dreg:$0xf] =	wrdreg s24  }
0x13: {  	v11 =	vimm.s32 $0x17;
	v12 =	vimm.s32 $0x18;
	v13 =	vimm.s32 $0x19;
	s26 =	sadd.s32 $0x3800, s6;
	s16 =	sshrl.u32 s5, $0x3;
	[dreg:$0x10] =	wrdreg s25  }
0x14: {  	v14 =	vimm.s32 $0x1A;
	v0 =	vunpack.c.0.s8.s32 v0;
	v1 =	vunpack.c.0.s8.s32 v1;
	[dreg:$0x11] =	wrdreg s26;
	s18 =	sadd.s32 $0x4000, s6;
	s19 =	smax.u32 s7, $0x1  }
0x15: {  	v15 =	vimm.s32 $0x1B;
	v16 =	vimm.s32 $0x1C;
	v17 =	vimm.s32 $0x1D;
	s20 =	sadd.s32 s23, s21;
	s22 =	simm.s32 $0xC80;
	s24 =	simm.s32 $0xB  }
0x16: {  	v3 =	vcombine.low v1, v0;
	v0 =	vlaneseq.u32;
	s25 =	simm.s32 $0x1580;
	v2 =	vmov s5;
	s26 =	simm.s32 $0xA;
	s5 =	simm.s32 $0x1B00  }
0x17: {  	v18 =	vimm.s32 $0x1E;
	v19 =	vimm.s32 $0x1F;
	v4 =	vmul.u32 $0x80, v0;
	s6 =	simm.s32 $0x9B00;
	s7 =	simm.s32 $0x2;
	s1 =	sadd.s32 s1, s16  }
0x18: {  	v20 =	vimm.s32 $0x0;
	s21 =	sadd.s32 $0x80, s20;
	v1 =	vsub.s32 $0x0, v2;
	v2 =	vand.u32 $0xF, v3;
	[dreg:$0x9] =	wrdreg s1;
	s1 =	sadd.s32 s2, s17  }
0x19: {  	v3 =	vadd.s32 $0x80, v4;
	v4 =	vimm.s32 $0x10;
	v1 =	vbroadcast v1, $0x0;
	s2 =	simm.s32 $0x5B00;
	[dreg:$0xd] =	wrdreg s1;
	s1 =	simm.s32 $0xDB00  }
.LBB2_1:
0x1a: {  	s14 =	rddreg [dreg:$0x9]  }
0x1b: {  	[tilespmem:s8], [sflag:$0x9] =	stream.linear.gather [hbm4b:s14+s8], $0xC80, $0x38;
	[tilespmem:$0x11B00] =	vst v63  }
0x1c: {  	s17 =	rddreg [dreg:$0x2]  }
0x1d: {  	[tilespmem:s22], [sflag:$0xA] =	stream.linear.gather [hbm4b:s17+s8], $0x800, $0x38;
	[tilespmem:$0x11B00] =	vst v63  }
0x1e: {  	s23 =	rddreg [dreg:$0x3];
	s15 =	simm.s32 $0x1480  }
0x1f: {  	[tilespmem:s15], [sflag:$0xB] =	stream.linear.gather [hbm4b:s23+s8], $0xF, $0x38;
	[tilespmem:$0x11B00] =	vst v63  }
0x20: {  	_ =	swait.ge [sflag:s24], $0xF  }
0x21: {  	[sflag:s24] =	ssyncset.done $0x0  }
0x22: {  	[sflag:s24] =	ssyncadd.s32 $0xFFFFFFF1  }
0x23: {  	v21 =	vld.idx.msk [tilespmem:v2+s15+$0x0], $0xffff;
	_ =	sdelay $0x3  }
0x24: {  	vm0 =	veq.s32 v0, $0xF  }
0x25: {  	v37 =	vsel vm0, $0x8000, v21  }
0x26: {  	v21 =	vadd.s32 v3, v37;
	[tilespmem:$0x1500] =	vst v37  }
0x27: {  	[tilespmem:$0x1590] =	vst v21  }
0x28: {  	v28 =	vld.idx.msk [tilespmem:v4+s25+$0x0], $0xffff  }
0x29: {  	v29 =	vld.idx.msk [tilespmem:v5+s25+$0x0], $0xffff  }
0x2a: {  	v27 =	vld.idx.msk [tilespmem:v6+s25+$0x0], $0xffff  }
0x2b: {  	v30 =	vld.idx.msk [tilespmem:v7+s25+$0x0], $0xffff  }
0x2c: {  	v31 =	vld.idx.msk [tilespmem:v8+s25+$0x0], $0xffff  }
0x2d: {  	v32 =	vld.idx.msk [tilespmem:v9+s25+$0x0], $0xffff  }
0x2e: {  	v33 =	vld.idx.msk [tilespmem:v10+s25+$0x0], $0xffff  }
0x2f: {  	v34 =	vld.idx.msk [tilespmem:v11+s25+$0x0], $0xffff  }
0x30: {  	v35 =	vld.idx.msk [tilespmem:v12+s25+$0x0], $0xffff  }
0x31: {  	v36 =	vld.idx.msk [tilespmem:v13+s25+$0x0], $0xffff  }
0x32: {  	v26 =	vld.idx.msk [tilespmem:v14+s25+$0x0], $0xffff  }
0x33: {  	v25 =	vld.idx.msk [tilespmem:v15+s25+$0x0], $0xffff  }
0x34: {  	v24 =	vld.idx.msk [tilespmem:v16+s25+$0x0], $0xffff  }
0x35: {  	v23 =	vld.idx.msk [tilespmem:v17+s25+$0x0], $0xffff  }
0x36: {  	v38 =	vimm.s32 @!p0 $0x0;
	v22 =	vld.idx.msk [tilespmem:v18+s25+$0x0], $0xffff  }
0x37: {  	v21 =	vld.idx.msk [tilespmem:v19+s25+$0x0], $0xffff;
	[tilespmem:$0x1600] =	vst @!p0 v38  }
0x38: {  	[tilespmem:$0x1601] =	vst @!p0 v37  }
0x39: {  	v38 =	vld @!p0 [tilespmem:$0x1600];
	_ =	sdelay $0x4  }
0x3a: {  	v37 =	vsub.s32 @!p0 v37, v38  }
0x3b: {  	s14 =	simm.s32 @!p0 $0x0;
	s15 =	simm.s32 @!p0 $0x1610;
	s16 =	rddreg [dreg:$0x6];
	[tilespmem:$0x1610] =	vst @!p0 v37  }
0x3c: {  	[hbm4b:s16+s14] =	stream.linear.scatter @!p0 [tilespmem:s15], [sflag:$0xB], $0x10, $0x38;
	[tilespmem:$0x11B00] =	vst v63  }
0x3d: {  	v38 =	vadd.s32 @!p0 $0x80, v37;
	v37 =	vor.u32 s20, v0;
	s15 =	simm.s32 @!p0 $0xB  }
0x3e: {  	v39 =	vimm.s32 @!p0 $0x80;
	vm0 =	vge.s32 v37, v28;
	vm1 =	vge.s32 v37, v29;
	_ =	swait.ge @!p0 [sflag:s15], $0x10  }
0x3f: {  	v40 =	vsel vm0, $0x1, v20;
	v41 =	vsel vm1, $0x1, v20;
	vm0 =	vge.s32 v37, v27;
	[sflag:s15] =	ssyncset.done @!p0 $0x0  }
0x40: {  	vm1 =	vge.s32 v37, v30;
	v49 =	vadd.s32 v41, v40;
	v50 =	vsel vm0, $0x1, v20;
	[sflag:s15] =	ssyncadd.s32 @!p0 $0xFFFFFFF0  }
0x41: {  	vm0 =	vge.s32 v37, v31;
	v51 =	vsel vm1, $0x1, v20;
	[tilespmem:$0x1620] =	vst @!p0 v38;
	v38 =	vadd.s32 v50, v49  }
0x42: {  	vm1 =	vge.s32 v37, v32;
	v52 =	vsel vm0, $0x1, v20;
	v38 =	vadd.s32 v51, v38  }
0x43: {  	s16 =	simm.s32 @!p0 $0x1620;
	vm0 =	vge.s32 v37, v33;
	v53 =	vsel vm1, $0x1, v20;
	s17 =	rddreg [dreg:$0x5];
	v38 =	vadd.s32 v52, v38  }
0x44: {  	vm1 =	vge.s32 v37, v34;
	v54 =	vsel vm0, $0x1, v20;
	[hbm4b:s17+s14] =	stream.linear.scatter @!p0 [tilespmem:s16], [sflag:$0xB], $0x10, $0x38;
	v38 =	vadd.s32 v53, v38;
	[tilespmem:$0x11B00] =	vst v63  }
0x45: {  	vm0 =	vge.s32 v37, v35;
	v55 =	vsel vm1, $0x1, v20;
	_ =	swait.ge @!p0 [sflag:s15], $0x10;
	v38 =	vadd.s32 v54, v38  }
0x46: {  	vm1 =	vge.s32 v37, v36;
	v56 =	vsel vm0, $0x1, v20;
	[sflag:s15] =	ssyncset.done @!p0 $0x0;
	v38 =	vadd.s32 v55, v38  }
0x47: {  	v57 =	vsel vm1, $0x1, v20;
	vm0 =	vge.s32 v37, v26;
	[sflag:s15] =	ssyncadd.s32 @!p0 $0xFFFFFFF0;
	v38 =	vadd.s32 v56, v38  }
0x48: {  	s16 =	simm.s32 @!p0 $0x1630;
	v58 =	vsel vm0, $0x1, v20;
	vm0 =	vge.s32 v37, v25;
	[tilespmem:$0x1630] =	vst @!p0 v39;
	s17 =	rddreg [dreg:$0x7];
	v38 =	vadd.s32 v57, v38  }
0x49: {  	v59 =	vsel vm0, $0x1, v20;
	vm0 =	vge.s32 v37, v24;
	[hbm4b:s17+s14] =	stream.linear.scatter @!p0 [tilespmem:s16], [sflag:$0xB], $0x10, $0x38;
	v38 =	vadd.s32 v58, v38;
	[tilespmem:$0x11B00] =	vst v63  }
0x4a: {  	v60 =	vsel vm0, $0x1, v20;
	vm0 =	vge.s32 v37, v23;
	_ =	swait.ge @!p0 [sflag:s15], $0x10;
	v38 =	vadd.s32 v59, v38  }
0x4b: {  	v61 =	vsel vm0, $0x1, v20;
	vm0 =	vge.s32 v37, v22;
	[sflag:s15] =	ssyncset.done @!p0 $0x0;
	v38 =	vadd.s32 v60, v38  }
0x4c: {  	v62 =	vsel vm0, $0x1, v20;
	vm0 =	vge.s32 v37, v21;
	[sflag:s15] =	ssyncadd.s32 @!p0 $0xFFFFFFF0;
	v38 =	vadd.s32 v61, v38  }
0x4d: {  	v63 =	vsel vm0, $0x1, v20;
	_ =	swait.ge [sflag:s26], $0x800;
	v39 =	vadd.s32 v62, v38  }
0x4e: {  	[sflag:s26] =	ssyncset.done $0x0;
	v39 =	vadd.s32 v63, v39  }
0x4f: {  	s16 =	sadd.s32 $0x10, s20;
	[sflag:s26] =	ssyncadd.s32 $0xFFFFF800  }
0x50: {  	v40 =	vadd.s32 v1, v37;
	v38 =	vor.u32 s16, v0;
	_ =	swait.ge [sflag:s28], $0xC80  }
0x51: {  	s14 =	simm.s32 $0x40;
	vm0 =	vge.s32 v38, v36;
	vm4 =	vge.s32 v38, v34;
	vm1 =	vge.s32 v38, v35;
	[sflag:s28] =	ssyncset.done $0x0  }
0x52: {  	s17 =	simm.s32 $0x80;
	s15 =	simm.s32 $0x0;
	vm3 =	vge.s32 v38, v31;
	vm2 =	vge.s32 v38, v32;
	vm5 =	vge.s32 v38, v33;
	[sflag:s28] =	ssyncadd.s32 $0xFFFFF380  }
.LBB2_2:
0x53: {  	p1 =	sne.s32 s17, $0x1C0;
	vm6 =	vge.s32 v38, v28;
	vm7 =	vge.s32 v38, v29;
	vm8 =	vge.s32 v38, v30;
	v41 =	vld.idx.msk [tilespmem:v39+s29+$0x0], $0xffff  }
0x54: {  	v42 =	vsel vm6, $0x1, v20;
	v43 =	vsel vm7, $0x1, v20;
	vm6 =	vge.s32 v38, v27  }
0x55: {  	v44 =	vsel vm4, $0x1, v20;
	v42 =	vadd.s32 v43, v42;
	v43 =	vsel vm6, $0x1, v20  }
0x56: {  	v45 =	vsel vm5, $0x1, v20;
	v42 =	vadd.s32 v43, v42;
	v43 =	vsel vm8, $0x1, v20  }
0x57: {  	v46 =	vshll.u32 v39, $0x7;
	v42 =	vadd.s32 v43, v42;
	v43 =	vsel vm3, $0x1, v20  }
0x58: {  	v40 =	vsub.s32 v40, v46;
	v39 =	vadd.s32 v43, v42;
	v42 =	vsel vm2, $0x1, v20  }
0x59: {  	vm2 =	vlt.s32 v40, $0xC7F;
	v39 =	vadd.s32 v42, v39;
	v42 =	vsub.s32 v37, v41  }
0x5a: {  	v40 =	vnsel vm2, $0xC7F, v40;
	v39 =	vadd.s32 v45, v39;
	vm2 =	vgt.s32 v42, $0x0  }
0x5b: {  	v43 =	vsel vm1, $0x1, v20;
	v39 =	vadd.s32 v44, v39;
	v42 =	vnsel vm2, $0x0, v42  }
0x5c: {  	v39 =	vadd.s32 v43, v39;
	v43 =	vsel vm0, $0x1, v20;
	vm0 =	vge.s32 v38, v26  }
0x5d: {  	v39 =	vadd.s32 v43, v39;
	v43 =	vsel vm0, $0x1, v20;
	vm0 =	vge.s32 v38, v25  }
0x5e: {  	v39 =	vadd.s32 v43, v39;
	v43 =	vsel vm0, $0x1, v20;
	vm0 =	vge.s32 v38, v24  }
0x5f: {  	v39 =	vadd.s32 v43, v39;
	v43 =	vsel vm0, $0x1, v20;
	vm0 =	vge.s32 v38, v23;
	v44 =	vld.idx.msk [tilespmem:v40+s8+$0x0], $0xffff  }
0x60: {  	v39 =	vadd.s32 v43, v39;
	v40 =	vsel vm0, $0x1, v20;
	vm0 =	vge.s32 v38, v22;
	v42 =	vld.idx.msk [tilespmem:v42+s22+$0x0], $0xffff  }
0x61: {  	v39 =	vadd.s32 v40, v39;
	v40 =	vsel vm0, $0x1, v20;
	vm0 =	vge.s32 v38, v21  }
0x62: {  	v39 =	vadd.s32 v40, v39;
	v40 =	vsel vm0, $0x1, v20  }
.Ltmp0:
0x63: {  	s16 =	sadd.s32 $0x10, s16;
	v39 =	vadd.s32 v40, v39;
	(pc) =	sbr.rel @p1 .LBB2_2-.Ltmp0, $4  }
0x64: {  	v41 =	vadd.s32 v46, v41;
	v43 =	vor.u32 s16, v0  }
0x65: {  	vm2 =	vlt.s32 v37, v41;
	v37 =	vmovc v38;
	vm0 =	vge.s32 v43, v36;
	v40 =	vadd.s32 v1, v38  }
0x66: {  	s23 =	sshra.s32 s15, $0x2;
	s15 =	smov.u32 s14;
	s14 =	smov.u32 s17;
	vm4 =	vge.s32 v43, v34;
	vm1 =	vge.s32 v43, v35;
	v38 =	vmovc v43;
	v41 =	vsel vm2, v44, v42  }
0x67: {  	s17 =	sadd.s32 $0x40, s17;
	vm3 =	vge.s32 v38, v31;
	vm5 =	vge.s32 v38, v33;
	vm2 =	vge.s32 v38, v32;
	[tilespmem:s23+$0x1680] =	vst v41  }
0x68: {  	_ =	sdelay $0x1  }
0x69: {  	vm6 =	vge.s32 v38, v28;
	vm7 =	vge.s32 v38, v29;
	vm8 =	vge.s32 v38, v30  }
0x6a: {  	v42 =	vsel vm6, $0x1, v20;
	v43 =	vsel vm7, $0x1, v20;
	vm6 =	vge.s32 v38, v27  }
0x6b: {  	v41 =	vld.idx.msk [tilespmem:v39+s29+$0x0], $0xffff;
	v44 =	vsel vm4, $0x1, v20;
	v42 =	vadd.s32 v43, v42;
	v50 =	vsel vm6, $0x1, v20  }
0x6c: {  	v45 =	vsel vm5, $0x1, v20;
	v51 =	vsel vm8, $0x1, v20;
	v42 =	vadd.s32 v50, v42  }
0x6d: {  	v52 =	vsel vm3, $0x1, v20;
	v53 =	vshll.u32 v39, $0x7;
	v42 =	vadd.s32 v51, v42  }
0x6e: {  	v54 =	vsel vm2, $0x1, v20;
	v56 =	vsel vm1, $0x1, v20;
	v42 =	vadd.s32 v52, v42  }
0x6f: {  	v57 =	vsel vm0, $0x1, v20;
	v40 =	vsub.s32 v40, v53;
	v42 =	vadd.s32 v54, v42  }
0x70: {  	vm2 =	vlt.s32 v40, $0xC7F;
	v55 =	vsub.s32 v37, v41;
	v42 =	vadd.s32 v45, v42  }
0x71: {  	v40 =	vnsel vm2, $0xC7F, v40;
	vm2 =	vgt.s32 v55, $0x0;
	v42 =	vadd.s32 v44, v42  }
0x72: {  	vm0 =	vge.s32 v38, v26;
	v43 =	vnsel vm2, $0x0, v55;
	v42 =	vadd.s32 v56, v42  }
0x73: {  	v58 =	vsel vm0, $0x1, v20;
	vm0 =	vge.s32 v38, v25;
	v42 =	vadd.s32 v57, v42  }
0x74: {  	v59 =	vsel vm0, $0x1, v20;
	vm0 =	vge.s32 v38, v24;
	v42 =	vadd.s32 v58, v42  }
0x75: {  	v60 =	vsel vm0, $0x1, v20;
	vm0 =	vge.s32 v38, v23;
	v42 =	vadd.s32 v59, v42  }
0x76: {  	v61 =	vsel vm0, $0x1, v20;
	vm0 =	vge.s32 v38, v22;
	v40 =	vld.idx.msk [tilespmem:v40+s8+$0x0], $0xffff;
	v42 =	vadd.s32 v60, v42  }
0x77: {  	v62 =	vsel vm0, $0x1, v20;
	vm0 =	vge.s32 v38, v21;
	v43 =	vld.idx.msk [tilespmem:v43+s22+$0x0], $0xffff;
	v42 =	vadd.s32 v61, v42  }
0x78: {  	v63 =	vsel vm0, $0x1, v20;
	v42 =	vadd.s32 v62, v42  }
0x79: {  	v42 =	vadd.s32 v63, v42  }
0x7a: {  	v39 =	vadd.s32 v53, v41  }
0x7b: {  	vm0 =	vlt.s32 v37, v39  }
0x7c: {  	s15 =	sshra.s32 s15, $0x2;
	v37 =	vsel vm0, v40, v43  }
0x7d: {  	[tilespmem:s15+$0x1680] =	vst v37  }
0x7e: {  	v37 =	vld.idx.msk [tilespmem:v42+s29+$0x0], $0xffff;
	_ =	sdelay $0x2  }
0x7f: {  	v45 =	vadd.s32 v1, v38;
	v46 =	vshll.u32 v42, $0x7  }
0x80: {  	v39 =	vsub.s32 v45, v46  }
0x81: {  	vm0 =	vlt.s32 v39, $0xC7F;
	v47 =	vsub.s32 v38, v37  }
0x82: {  	v39 =	vnsel vm0, $0xC7F, v39;
	vm0 =	vgt.s32 v47, $0x0  }
0x83: {  	v41 =	vnsel vm0, $0x0, v47;
	_ =	sdelay $0x3  }
0x84: {  	v39 =	vld.idx.msk [tilespmem:v39+s8+$0x0], $0xffff  }
0x85: {  	v41 =	vld.idx.msk [tilespmem:v41+s22+$0x0], $0xffff;
	_ =	sdelay $0x2  }
0x86: {  	v37 =	vadd.s32 v46, v37  }
0x87: {  	vm0 =	vlt.s32 v38, v37;
	v37 =	vor.u32 s21, v0  }
0x88: {  	vm1 =	vge.s32 v37, v29;
	v38 =	vsel vm0, v39, v41;
	vm0 =	vge.s32 v37, v28  }
0x89: {  	v49 =	vsel vm1, $0x1, v20;
	v48 =	vsel vm0, $0x1, v20;
	vm0 =	vge.s32 v37, v27  }
0x8a: {  	vm1 =	vge.s32 v37, v30;
	v39 =	vadd.s32 v49, v48;
	v50 =	vsel vm0, $0x1, v20  }
0x8b: {  	v51 =	vsel vm1, $0x1, v20;
	vm0 =	vge.s32 v37, v31;
	v39 =	vadd.s32 v50, v39  }
0x8c: {  	vm1 =	vge.s32 v37, v32;
	v52 =	vsel vm0, $0x1, v20;
	v39 =	vadd.s32 v51, v39  }
0x8d: {  	v53 =	vsel vm1, $0x1, v20;
	vm0 =	vge.s32 v37, v33;
	v39 =	vadd.s32 v52, v39  }
0x8e: {  	vm1 =	vge.s32 v37, v34;
	v54 =	vsel vm0, $0x1, v20;
	v39 =	vadd.s32 v53, v39  }
0x8f: {  	v55 =	vsel vm1, $0x1, v20;
	vm0 =	vge.s32 v37, v35;
	v39 =	vadd.s32 v54, v39  }
0x90: {  	vm1 =	vge.s32 v37, v36;
	v56 =	vsel vm0, $0x1, v20;
	v39 =	vadd.s32 v55, v39  }
0x91: {  	v57 =	vsel vm1, $0x1, v20;
	vm0 =	vge.s32 v37, v26;
	v39 =	vadd.s32 v56, v39  }
0x92: {  	v58 =	vsel vm0, $0x1, v20;
	vm0 =	vge.s32 v37, v25;
	v39 =	vadd.s32 v57, v39  }
0x93: {  	v59 =	vsel vm0, $0x1, v20;
	vm0 =	vge.s32 v37, v24;
	v39 =	vadd.s32 v58, v39  }
0x94: {  	v60 =	vsel vm0, $0x1, v20;
	vm0 =	vge.s32 v37, v23;
	v39 =	vadd.s32 v59, v39  }
0x95: {  	v61 =	vsel vm0, $0x1, v20;
	vm0 =	vge.s32 v37, v22;
	v39 =	vadd.s32 v60, v39  }
0x96: {  	v62 =	vsel vm0, $0x1, v20;
	vm0 =	vge.s32 v37, v21;
	v39 =	vadd.s32 v61, v39  }
0x97: {  	v63 =	vsel vm0, $0x1, v20;
	v39 =	vadd.s32 v62, v39  }
0x98: {  	v39 =	vadd.s32 v63, v39  }
0x99: {  	s14 =	sshra.s32 s14, $0x2;
	s16 =	sadd.s32 $0x10, s21  }
0x9a: {  	s23 =	simm.s32 $0x1680;
	v40 =	vadd.s32 v1, v37;
	[tilespmem:s14+$0x1680] =	vst v38;
	v38 =	vor.u32 s16, v0  }
0x9b: {  	s17 =	simm.s32 $0x80;
	s15 =	simm.s32 $0x0;
	s14 =	simm.s32 $0x40;
	vm3 =	vge.s32 v38, v34;
	vm1 =	vge.s32 v38, v35;
	vm4 =	vge.s32 v38, v31  }
0x9c: {  	[tilespmem:s5], [sflag:$0x1] =	stream.indirect.gather [hbm4b:s0+s30], $0x80, s23, s30, $0xb8;
	vm2 =	vge.s32 v38, v32;
	vm5 =	vge.s32 v38, v33;
	vm0 =	vge.s32 v38, v36;
	[tilespmem:$0x11B00] =	vst v63  }
.LBB2_4:
0x9d: {  	p1 =	sne.s32 s17, $0xEC0;
	vm6 =	vge.s32 v38, v28;
	vm7 =	vge.s32 v38, v29;
	vm8 =	vge.s32 v38, v30;
	v41 =	vld.idx.msk [tilespmem:v39+s29+$0x0], $0xffff  }
0x9e: {  	v42 =	vsel vm6, $0x1, v20;
	v43 =	vsel vm7, $0x1, v20;
	vm6 =	vge.s32 v38, v27  }
0x9f: {  	v44 =	vsel vm3, $0x1, v20;
	v42 =	vadd.s32 v43, v42;
	v43 =	vsel vm6, $0x1, v20  }
0xa0: {  	v45 =	vsel vm5, $0x1, v20;
	v42 =	vadd.s32 v43, v42;
	v43 =	vsel vm8, $0x1, v20  }
0xa1: {  	v46 =	vshll.u32 v39, $0x7;
	v42 =	vadd.s32 v43, v42;
	v43 =	vsel vm4, $0x1, v20  }
0xa2: {  	v40 =	vsub.s32 v40, v46;
	v39 =	vadd.s32 v43, v42;
	v42 =	vsel vm2, $0x1, v20  }
0xa3: {  	vm2 =	vlt.s32 v40, $0xC7F;
	v39 =	vadd.s32 v42, v39;
	v42 =	vsub.s32 v37, v41  }
0xa4: {  	v40 =	vnsel vm2, $0xC7F, v40;
	v39 =	vadd.s32 v45, v39;
	vm2 =	vgt.s32 v42, $0x0  }
0xa5: {  	v43 =	vsel vm1, $0x1, v20;
	v39 =	vadd.s32 v44, v39;
	v42 =	vnsel vm2, $0x0, v42  }
0xa6: {  	v39 =	vadd.s32 v43, v39;
	v43 =	vsel vm0, $0x1, v20;
	vm0 =	vge.s32 v38, v26  }
0xa7: {  	v39 =	vadd.s32 v43, v39;
	v43 =	vsel vm0, $0x1, v20;
	vm0 =	vge.s32 v38, v25  }
0xa8: {  	v39 =	vadd.s32 v43, v39;
	v43 =	vsel vm0, $0x1, v20;
	vm0 =	vge.s32 v38, v24  }
0xa9: {  	v39 =	vadd.s32 v43, v39;
	v43 =	vsel vm0, $0x1, v20;
	vm0 =	vge.s32 v38, v23;
	v44 =	vld.idx.msk [tilespmem:v40+s8+$0x0], $0xffff  }
0xaa: {  	v39 =	vadd.s32 v43, v39;
	v40 =	vsel vm0, $0x1, v20;
	vm0 =	vge.s32 v38, v22;
	v42 =	vld.idx.msk [tilespmem:v42+s22+$0x0], $0xffff  }
0xab: {  	v39 =	vadd.s32 v40, v39;
	v40 =	vsel vm0, $0x1, v20;
	vm0 =	vge.s32 v38, v21  }
0xac: {  	v39 =	vadd.s32 v40, v39;
	v40 =	vsel vm0, $0x1, v20  }
.Ltmp1:
0xad: {  	s16 =	sadd.s32 $0x10, s16;
	v39 =	vadd.s32 v40, v39;
	(pc) =	sbr.rel @p1 .LBB2_4-.Ltmp1, $4  }
0xae: {  	v41 =	vadd.s32 v46, v41;
	v43 =	vor.u32 s16, v0  }
0xaf: {  	vm2 =	vlt.s32 v37, v41;
	v37 =	vmovc v38;
	vm0 =	vge.s32 v43, v36;
	v40 =	vadd.s32 v1, v38  }
0xb0: {  	s23 =	sshra.s32 s15, $0x2;
	s15 =	smov.u32 s14;
	s14 =	smov.u32 s17;
	vm3 =	vge.s32 v43, v34;
	vm1 =	vge.s32 v43, v35;
	v38 =	vmovc v43;
	v41 =	vsel vm2, v44, v42  }
0xb1: {  	s17 =	sadd.s32 $0x40, s17;
	vm4 =	vge.s32 v38, v31;
	vm5 =	vge.s32 v38, v33;
	vm2 =	vge.s32 v38, v32;
	[tilespmem:s23+$0x1700] =	vst v41  }
0xb2: {  	_ =	sdelay $0x1  }
0xb3: {  	vm6 =	vge.s32 v38, v28;
	vm7 =	vge.s32 v38, v29;
	vm8 =	vge.s32 v38, v30  }
0xb4: {  	vm15 =	vge.s32 v38, v27;
	v41 =	vsel vm6, $0x1, v20;
	v42 =	vsel vm7, $0x1, v20  }
0xb5: {  	v36 =	vld.idx.msk [tilespmem:v39+s29+$0x0], $0xffff;
	v45 =	vsel vm3, $0x1, v20;
	v44 =	vsel vm15, $0x1, v20;
	v43 =	vadd.s32 v42, v41  }
0xb6: {  	v31 =	vsel vm5, $0x1, v20;
	v46 =	vsel vm8, $0x1, v20;
	v27 =	vadd.s32 v44, v43  }
0xb7: {  	v47 =	vsel vm4, $0x1, v20;
	v32 =	vshll.u32 v39, $0x7;
	v27 =	vadd.s32 v46, v27  }
0xb8: {  	v48 =	vsel vm2, $0x1, v20;
	v51 =	vsel vm1, $0x1, v20;
	v27 =	vadd.s32 v47, v27  }
0xb9: {  	v52 =	vsel vm0, $0x1, v20;
	v33 =	vsub.s32 v40, v32;
	v27 =	vadd.s32 v48, v27  }
0xba: {  	vm4 =	vlt.s32 v33, $0xC7F;
	v49 =	vsub.s32 v37, v36;
	v27 =	vadd.s32 v31, v27  }
0xbb: {  	v50 =	vnsel vm4, $0xC7F, v33;
	vm5 =	vgt.s32 v49, $0x0;
	v27 =	vadd.s32 v45, v27  }
0xbc: {  	vm6 =	vge.s32 v38, v26;
	v29 =	vnsel vm5, $0x0, v49;
	v27 =	vadd.s32 v51, v27  }
0xbd: {  	vm7 =	vge.s32 v38, v25;
	v54 =	vsel vm6, $0x1, v20;
	v53 =	vadd.s32 v52, v27  }
0xbe: {  	vm8 =	vge.s32 v38, v24;
	v56 =	vsel vm7, $0x1, v20;
	v55 =	vadd.s32 v54, v53  }
0xbf: {  	vm9 =	vge.s32 v38, v23;
	v58 =	vsel vm8, $0x1, v20;
	v57 =	vadd.s32 v56, v55  }
0xc0: {  	vm10 =	vge.s32 v38, v22;
	v59 =	vsel vm9, $0x1, v20;
	v23 =	vld.idx.msk [tilespmem:v50+s8+$0x0], $0xffff;
	v24 =	vadd.s32 v58, v57  }
0xc1: {  	vm11 =	vge.s32 v38, v21;
	v60 =	vsel vm10, $0x1, v20;
	v22 =	vld.idx.msk [tilespmem:v29+s22+$0x0], $0xffff;
	v24 =	vadd.s32 v59, v24  }
0xc2: {  	v61 =	vsel vm11, $0x1, v20;
	v21 =	vadd.s32 v60, v24  }
0xc3: {  	v21 =	vadd.s32 v61, v21  }
0xc4: {  	v62 =	vadd.s32 v32, v36  }
0xc5: {  	vm12 =	vlt.s32 v37, v62  }
0xc6: {  	s15 =	sshra.s32 s15, $0x2;
	v22 =	vsel vm12, v23, v22  }
0xc7: {  	[tilespmem:s15+$0x1700] =	vst v22  }
0xc8: {  	v22 =	vld.idx.msk [tilespmem:v21+s29+$0x0], $0xffff;
	_ =	sdelay $0x2  }
0xc9: {  	v23 =	vadd.s32 v1, v38;
	v21 =	vshll.u32 v21, $0x7  }
0xca: {  	v23 =	vsub.s32 v23, v21  }
0xcb: {  	vm13 =	vlt.s32 v23, $0xC7F;
	v63 =	vsub.s32 v38, v22  }
0xcc: {  	v23 =	vnsel vm13, $0xC7F, v23;
	vm14 =	vgt.s32 v63, $0x0  }
0xcd: {  	v24 =	vnsel vm14, $0x0, v63;
	_ =	sdelay $0x3  }
0xce: {  	v23 =	vld.idx.msk [tilespmem:v23+s8+$0x0], $0xffff  }
0xcf: {  	v24 =	vld.idx.msk [tilespmem:v24+s22+$0x0], $0xffff;
	_ =	sdelay $0x2  }
0xd0: {  	v21 =	vadd.s32 v21, v22  }
0xd1: {  	vm15 =	vlt.s32 v38, v21  }
0xd2: {  	s14 =	sshra.s32 s14, $0x2;
	v21 =	vsel vm15, v23, v24  }
0xd3: {  	s23 =	simm.s32 $0x1700;
	[tilespmem:s14+$0x1700] =	vst v21  }
0xd4: {  	[tilespmem:s2], [sflag:$0x2] =	stream.indirect.gather [hbm4b:s0+s30], $0x80, s23, s30, $0xb8;
	[tilespmem:$0x11B00] =	vst v63  }
0xd5: {  	_ =	swait.ge [sflag:s3], $0x4000  }
0xd6: {  	[sflag:s3] =	ssyncset.done $0x0  }
0xd7: {  	s15 =	rddreg [dreg:$0xd];
	[sflag:s3] =	ssyncadd.s32 $0xFFFFC000  }
0xd8: {  	[hbm4b:s15+s8] =	stream.linear.scatter [tilespmem:s5], [sflag:$0x5], $0x4000, $0x38;
	[tilespmem:$0x11B00] =	vst v63  }
0xd9: {  	s16 =	simm.s32 $0x1780  }
0xda: {  	[tilespmem:s6], [sflag:$0x3] =	stream.indirect.gather [hbm4b:s0+s30], $0x80, s16, s30, $0xb8;
	[tilespmem:$0x11B00] =	vst v63  }
0xdb: {  	_ =	swait.ge [sflag:s7], $0x4000  }
0xdc: {  	[sflag:s7] =	ssyncset.done $0x0  }
0xdd: {  	s17 =	rddreg [dreg:$0xa];
	[sflag:s7] =	ssyncadd.s32 $0xFFFFC000  }
0xde: {  	[hbm4b:s17+s8] =	stream.linear.scatter [tilespmem:s2], [sflag:$0x6], $0x4000, $0x38;
	[tilespmem:$0x11B00] =	vst v63  }
0xdf: {  	s23 =	simm.s32 $0x1800  }
0xe0: {  	[tilespmem:s1], [sflag:$0x4] =	stream.indirect.gather [hbm4b:s0+s30], $0x80, s23, s30, $0xb8;
	[tilespmem:$0x11B00] =	vst v63  }
0xe1: {  	_ =	swait.ge [sflag:s4], $0x4000  }
0xe2: {  	[sflag:s4] =	ssyncset.done $0x0  }
0xe3: {  	s15 =	rddreg [dreg:$0xb];
	[sflag:s4] =	ssyncadd.s32 $0xFFFFC000  }
0xe4: {  	[hbm4b:s15+s8] =	stream.linear.scatter [tilespmem:s6], [sflag:$0x7], $0x4000, $0x38;
	[tilespmem:$0x11B00] =	vst v63  }
0xe5: {  	_ =	swait.ge [sflag:s31], $0x4000  }
0xe6: {  	[sflag:s31] =	ssyncset.done $0x0  }
0xe7: {  	s16 =	simm.s32 $0x1880;
	[sflag:s31] =	ssyncadd.s32 $0xFFFFC000  }
0xe8: {  	[tilespmem:s5], [sflag:$0x1] =	stream.indirect.gather [hbm4b:s0+s30], $0x80, s16, s30, $0xb8;
	[tilespmem:$0x11B00] =	vst v63  }
0xe9: {  	_ =	swait.ge [sflag:s9], $0x4000  }
0xea: {  	[sflag:s9] =	ssyncset.done $0x0  }
0xeb: {  	s17 =	rddreg [dreg:$0xc];
	[sflag:s9] =	ssyncadd.s32 $0xFFFFC000  }
0xec: {  	[hbm4b:s17+s8] =	stream.linear.scatter [tilespmem:s1], [sflag:$0x8], $0x4000, $0x38;
	[tilespmem:$0x11B00] =	vst v63  }
0xed: {  	_ =	swait.ge [sflag:s10], $0x4000  }
0xee: {  	[sflag:s10] =	ssyncset.done $0x0  }
0xef: {  	s23 =	simm.s32 $0x1900;
	[sflag:s10] =	ssyncadd.s32 $0xFFFFC000  }
0xf0: {  	[tilespmem:s2], [sflag:$0x2] =	stream.indirect.gather [hbm4b:s0+s30], $0x80, s23, s30, $0xb8;
	[tilespmem:$0x11B00] =	vst v63  }
0xf1: {  	_ =	swait.ge [sflag:s3], $0x4000  }
0xf2: {  	[sflag:s3] =	ssyncset.done $0x0  }
0xf3: {  	s15 =	rddreg [dreg:$0xe];
	[sflag:s3] =	ssyncadd.s32 $0xFFFFC000  }
0xf4: {  	[hbm4b:s15+s8] =	stream.linear.scatter [tilespmem:s5], [sflag:$0x5], $0x4000, $0x38;
	[tilespmem:$0x11B00] =	vst v63  }
0xf5: {  	_ =	swait.ge [sflag:s11], $0x4000  }
0xf6: {  	[sflag:s11] =	ssyncset.done $0x0  }
0xf7: {  	s16 =	simm.s32 $0x1980;
	[sflag:s11] =	ssyncadd.s32 $0xFFFFC000  }
0xf8: {  	[tilespmem:s6], [sflag:$0x3] =	stream.indirect.gather [hbm4b:s0+s30], $0x80, s16, s30, $0xb8;
	[tilespmem:$0x11B00] =	vst v63  }
0xf9: {  	_ =	swait.ge [sflag:s7], $0x4000  }
0xfa: {  	[sflag:s7] =	ssyncset.done $0x0  }
0xfb: {  	s17 =	rddreg [dreg:$0xf];
	[sflag:s7] =	ssyncadd.s32 $0xFFFFC000  }
0xfc: {  	[hbm4b:s17+s8] =	stream.linear.scatter [tilespmem:s2], [sflag:$0x6], $0x4000, $0x38;
	[tilespmem:$0x11B00] =	vst v63  }
0xfd: {  	_ =	swait.ge [sflag:s12], $0x4000  }
0xfe: {  	[sflag:s12] =	ssyncset.done $0x0  }
0xff: {  	s23 =	simm.s32 $0x1A00;
	[sflag:s12] =	ssyncadd.s32 $0xFFFFC000  }
0x100: {  	[tilespmem:s1], [sflag:$0x4] =	stream.indirect.gather [hbm4b:s0+s30], $0x80, s23, s30, $0xb8;
	[tilespmem:$0x11B00] =	vst v63  }
0x101: {  	_ =	swait.ge [sflag:s4], $0x4000  }
0x102: {  	[sflag:s4] =	ssyncset.done $0x0  }
0x103: {  	s15 =	rddreg [dreg:$0x10];
	[sflag:s4] =	ssyncadd.s32 $0xFFFFC000  }
0x104: {  	[hbm4b:s15+s8] =	stream.linear.scatter [tilespmem:s6], [sflag:$0x7], $0x4000, $0x38;
	[tilespmem:$0x11B00] =	vst v63  }
0x105: {  	_ =	swait.ge [sflag:s31], $0x4000  }
0x106: {  	[sflag:s31] =	ssyncset.done $0x0  }
0x107: {  	s16 =	simm.s32 $0x40;
	s17 =	simm.s32 $0x1A80;
	[sflag:s31] =	ssyncadd.s32 $0xFFFFC000  }
0x108: {  	[tilespmem:s5], [sflag:$0x1] =	stream.indirect.gather [hbm4b:s0+s16], $0x80, s17, s16, $0xb8;
	[tilespmem:$0x11B00] =	vst v63  }
0x109: {  	_ =	swait.ge [sflag:s9], $0x4000  }
0x10a: {  	[sflag:s9] =	ssyncset.done $0x0  }
0x10b: {  	s23 =	rddreg [dreg:$0x11];
	[sflag:s9] =	ssyncadd.s32 $0xFFFFC000  }
0x10c: {  	[hbm4b:s23+s8] =	stream.linear.scatter [tilespmem:s1], [sflag:$0x8], $0x4000, $0x38;
	[tilespmem:$0x11B00] =	vst v63  }
0x10d: {  	_ =	swait.ge [sflag:s3], $0x2000  }
0x10e: {  	[sflag:s3] =	ssyncset.done $0x0  }
0x10f: {  	[sflag:s3] =	ssyncadd.s32 $0xFFFFE000  }
0x110: {  	[hbm4b:s18+s8] =	stream.linear.scatter [tilespmem:s5], [sflag:$0x5], $0x2000, $0x38;
	[tilespmem:$0x11B00] =	vst v63  }
0x111: {  	_ =	swait.ge [sflag:s10], $0x4000  }
0x112: {  	[sflag:s10] =	ssyncset.done $0x0  }
0x113: {  	[sflag:s10] =	ssyncadd.s32 $0xFFFFC000  }
0x114: {  	_ =	swait.ge [sflag:s11], $0x4000  }
0x115: {  	[sflag:s11] =	ssyncset.done $0x0  }
0x116: {  	s13 =	sadd.s32 $0x1, s13;
	[sflag:s11] =	ssyncadd.s32 $0xFFFFC000  }
0x117: {  	p1 =	sne.s32 s13, s19;
	_ =	swait.ge [sflag:s12], $0x4000  }
.Ltmp2:
0x118: {  	[sflag:s12] =	ssyncset.done $0x0;
	(pc) =	sbr.rel @p1 .LBB2_1-.Ltmp2, $4  }
0x119: {  	[sflag:s12] =	ssyncadd.s32 $0xFFFFC000  }
0x11a: {  	_ =	swait.ge [sflag:s31], $0x2000  }
0x11b: {  	[sflag:s31] =	ssyncset.done $0x0  }
0x11c: {  	[sflag:s31] =	ssyncadd.s32 $0xFFFFE000  }
0x11d: {  	_ =	sfence.sel $0x180000  }
0x11e: {  	[bflag:$0x0] =	sbarrier.arrive $0xFFFF  }
0x11f: {  	_ =	strace $0x90000047  }
0x120: {  	s0 =	stileid.u32;
	[bflag:$0x2] =	sbarrier.arrive $0xFFFF  }
0x121: {  	p0 =	sne.s32 s0, $0x0;
	s0 =	rddreg [dreg:$0x8]  }
0x122: {  	s0 =	sadd.s32 @!p0 $0x100000, s0  }
0x123: {  	[sflag:s0] =	ssyncadd.tile.s32 @!p0 $0x1;
	_ =	shalt  }
.Lfunc_end2:
_tile_overlayer_lowered:
.L_overlay_start_2:
0x124: {  	(tag) =	ssettag $0x2  }
0x125: {  	s0 =	rddreg [dreg:$0x0];
	s2 =	stileid.u32  }
0x126: {  	s1 =	rddreg [dreg:$0x1];
	p0 =	sne.s32 s2, $0x0  }
0x127: {  	s3 =	rddreg [dreg:$0x2];
	[bflag:$0x3] =	sbarrier.arrive $0xFFFF;
	s2 =	simm.s32 @!p0 $0x1C0B  }
0x128: {  	[timem:s3], [sflag:s2] =	dma.local @!p0 [hbm:s0], s1  }
0x129: {  	s0 =	simm.s32 @!p0 $0xB  }
0x12a: {  	_ =	swait.ge @!p0 [sflag:s0], s1  }
0x12b: {  	s1 =	ssub.s32 @!p0 $0x0, s1;
	[sflag:s0] =	ssyncset.done @!p0 $0x0  }
0x12c: {  	[sflag:s0] =	ssyncadd.s32 @!p0 s1  }
0x12d: {  	[bflag:$0x3] =	sbarrier.arrive $0xFFFF  }
0x12e: {  	_ =	shalt  }

</sc_bundles>
